<compile_context>
chip_gen: v7x
topology: tpu7x:2x2x1
jax: 0.10.2.dev20260603
libtpu: 0.0.44.dev20260713+nightly
codegen_flags: <defaults>
</compile_context>

<pallas_src>
import functools

import jax
import jax.numpy as jnp
from jax import lax
from jax.experimental import pallas as pl
from jax.experimental.pallas import tpu as pltpu
from jax.experimental.pallas import tpu_sc as plsc

N_NODES = 10000
N_EDGES = 320000
D = 128

NC = 2
NS = 16
L = 16

EPT = N_EDGES // (NC * NS)
CHUNK = 80
NITER = -(-EPT // CHUNK)
EPT_PAD = NITER * CHUNK
ZROWS = 80
NZCH = N_NODES // ZROWS
N_ACC = N_NODES
NCPAD = NITER + 3


def _sc_agg(x, idx3):
  mesh = plsc.VectorSubcoreMesh(core_axis_name="c", subcore_axis_name="s")

  @functools.partial(
      pl.kernel,
      mesh=mesh,
      out_type=jax.ShapeDtypeStruct((NC, N_NODES, D), jnp.float32),
      scratch_types=[
          pltpu.VMEM((2, CHUNK), jnp.int32),
          pltpu.VMEM((2, CHUNK), jnp.int32),
          pltpu.VMEM((CHUNK, D), jnp.float32),
          pltpu.VMEM((CHUNK, D), jnp.float32),
          pltpu.VMEM((ZROWS, D), jnp.float32),
          pltpu.VMEM_SHARED((N_ACC, D), jnp.float32),
          pltpu.SemaphoreType.DMA,
          pltpu.SemaphoreType.DMA,
          pltpu.SemaphoreType.DMA,
          pltpu.SemaphoreType.DMA,
      ],
  )
  def agg_kernel(x_hbm, idx_hbm, out_hbm,
                 sl0, sl1, rows0, rows1, z_v, acc_sh, i0, i1, g0, g1):
    c = lax.axis_index("c")
    s = lax.axis_index("s")
    t = c * NS + s

    pltpu.async_copy(idx_hbm.at[t, 0], sl0, i0)
    pltpu.async_copy(idx_hbm.at[t, 1], sl1, i1)

    @pl.loop(0, ZROWS)
    def _(i):
      @pl.loop(0, D // L)
      def _(j):
        z_v[i, pl.ds(j * L, L)] = jnp.zeros((L,), jnp.float32)

    @pl.loop(s, NZCH, step=NS)
    def _(k):
      pltpu.sync_copy(z_v, acc_sh.at[pl.ds(k * ZROWS, ZROWS)])

    pltpu.make_async_copy(idx_hbm.at[t, 0], sl0, i0).wait()
    pltpu.async_copy(x_hbm.at[sl0.at[0]], rows0, g0)

    plsc.subcore_barrier()

    @pl.loop(0, NITER - 1, step=2)
    def _(i):
      pltpu.make_async_copy(idx_hbm.at[t, i + 1], sl1, i1).wait()
      pltpu.async_copy(x_hbm.at[sl1.at[0]], rows1, g1)
      pltpu.make_async_copy(x_hbm.at[sl0.at[0]], rows0, g0).wait()
      pltpu.sync_copy(rows0, acc_sh.at[sl0.at[1]], add=True)
      pltpu.async_copy(idx_hbm.at[t, i + 2], sl0, i0)
      pltpu.make_async_copy(x_hbm.at[sl1.at[0]], rows1, g1).wait()
      pltpu.sync_copy(rows1, acc_sh.at[sl1.at[1]], add=True)
      pltpu.async_copy(idx_hbm.at[t, i + 3], sl1, i1)
      pltpu.make_async_copy(idx_hbm.at[t, i + 2], sl0, i0).wait()
      pltpu.async_copy(x_hbm.at[sl0.at[0]], rows0, g0)

    pltpu.make_async_copy(x_hbm.at[sl0.at[0]], rows0, g0).wait()
    pltpu.sync_copy(rows0, acc_sh.at[sl0.at[1]], add=True)
    pltpu.make_async_copy(idx_hbm.at[t, 0], sl1, i1).wait()

    plsc.subcore_barrier()

    @pl.loop(s, NZCH, step=NS)
    def _(k):
      r0 = k * ZROWS
      pltpu.sync_copy(acc_sh.at[pl.ds(r0, ZROWS)],
                      out_hbm.at[c, pl.ds(r0, ZROWS)])

  return agg_kernel(x, idx3)


def _tc_layer_body(eps_ref, x_ref, p_ref, wa_ref, ba_ref, g_ref, beta_ref,
                   wb_ref, bb_ref, o_ref):
  x = x_ref[...]
  h = x + eps_ref[...] * x + p_ref[0] + p_ref[1]
  a = jnp.dot(h, wa_ref[...], precision=lax.Precision.DEFAULT,
              preferred_element_type=jnp.float32) + ba_ref[...]
  mu = jnp.mean(a, axis=0, keepdims=True)
  var = jnp.mean((a - mu) ** 2, axis=0, keepdims=True)
  a = (a - mu) * lax.rsqrt(var + 1e-5) * g_ref[...] + beta_ref[...]
  a = jnp.maximum(a, 0.0)
  o = jnp.dot(a, wb_ref[...], precision=lax.Precision.DEFAULT,
              preferred_element_type=jnp.float32) + bb_ref[...]
  o_ref[...] = jnp.maximum(o, 0.0)


def _tc_layer(x, parts, eps, wa, ba, g, beta, wb, bb):
  return pl.pallas_call(
      _tc_layer_body,
      out_shape=jax.ShapeDtypeStruct((N_NODES, D), jnp.float32),
  )(jnp.reshape(eps, (1, 1)), x, parts,
    wa, ba.reshape(1, D), g.reshape(1, D), beta.reshape(1, D),
    wb, bb.reshape(1, D))


def kernel(x, edge_index, eps1, W1a, b1a, g1, beta1, W1b, b1b,
           eps2, W2a, b2a, g2, beta2, W2b, b2b):
  ei = edge_index.astype(jnp.int32).reshape(2, NC * NS, NITER, CHUNK)
  idx3 = jnp.moveaxis(ei, 0, 2)
  idx3 = jnp.pad(idx3, ((0, 0), (0, NCPAD - NITER), (0, 0), (0, 0)))

  parts1 = _sc_agg(x, idx3)
  h1 = _tc_layer(x, parts1, eps1, W1a, b1a, g1, beta1, W1b, b1b)
  parts2 = _sc_agg(h1, idx3)
  h2 = _tc_layer(h1, parts2, eps2, W2a, b2a, g2, beta2, W2b, b2b)
  return h2

# --- scband reference (transcript-rebuilt; emitter-appended) ---
"""Pipeline reference for scband-gin-22857815949371 (READ-ONLY COPY).

The authoritative reference and input builder live on the scoring server;
editing this copy changes nothing except your own understanding.
"""

import jax, jax.numpy as jnp
import numpy as np

N_NODES = 10000
N_EDGES = 320000
D_IN = 128
D_HID = 128


def setup_inputs(seed: int = 0) -> dict:
    key = jax.random.key(seed)
    ks = jax.random.split(key, 16)
    x = jax.random.normal(ks[0], (N_NODES, D_IN), dtype=jnp.float32)
    edge_index = jax.random.randint(ks[1], (2, N_EDGES), 0, N_NODES, dtype=jnp.int64)
    def lin(k, fan_in, fan_out):
        bound = 1.0 / np.sqrt(fan_in)
        k1, k2 = jax.random.split(k)
        W = jax.random.uniform(k1, (fan_in, fan_out), minval=-bound, maxval=bound, dtype=jnp.float32)
        b = jax.random.uniform(k2, (fan_out,), minval=-bound, maxval=bound, dtype=jnp.float32)
        return W, b
    W1a, b1a = lin(ks[2], D_IN, D_HID)
    W1b, b1b = lin(ks[3], D_HID, D_HID)
    W2a, b2a = lin(ks[4], D_HID, D_HID)
    W2b, b2b = lin(ks[5], D_HID, D_HID)
    return {
        "x": x, "edge_index": edge_index,
        "eps1": jnp.zeros((), jnp.float32), "W1a": W1a, "b1a": b1a,
        "g1": jnp.ones((D_HID,), jnp.float32), "beta1": jnp.zeros((D_HID,), jnp.float32),
        "W1b": W1b, "b1b": b1b,
        "eps2": jnp.zeros((), jnp.float32), "W2a": W2a, "b2a": b2a,
        "g2": jnp.ones((D_HID,), jnp.float32), "beta2": jnp.zeros((D_HID,), jnp.float32),
        "W2b": W2b, "b2b": b2b,
    }


def _mlp(h, Wa, ba, g, beta, Wb, bb):
    # PyG MLP([in, hid, hid]): Linear -> BatchNorm -> ReLU -> Linear (plain_last=True)
    h = h @ Wa + ba
    mu = jnp.mean(h, axis=0)
    var = jnp.var(h, axis=0)
    h = (h - mu) / jnp.sqrt(var + 1e-5) * g + beta
    h = jax.nn.relu(h)
    h = h @ Wb + bb
    return h


def _gin_conv(x, src, dst, eps, Wa, ba, g, beta, Wb, bb):
    # sum-aggregate neighbor features: gather x[src], scatter-add at dst
    agg = jax.ops.segment_sum(x[src], dst, num_segments=N_NODES)
    h = (1.0 + eps) * x + agg
    return _mlp(h, Wa, ba, g, beta, Wb, bb)


def reference(x, edge_index, eps1, W1a, b1a, g1, beta1, W1b, b1b, eps2, W2a, b2a, g2, beta2, W2b, b2b):
    src = edge_index[0]
    dst = edge_index[1]
    h = _gin_conv(x, src, dst, eps1, W1a, b1a, g1, beta1, W1b, b1b)
    h = jax.nn.relu(h)
    h = _gin_conv(h, src, dst, eps2, W2a, b2a, g2, beta2, W2b, b2b)
    h = jax.nn.relu(h)
    return h

if __name__ == "__main__":
    import jax
    _d = setup_inputs()
    print(jax.jit(kernel)(*tuple(_d.values())))

</pallas_src>

<mosaic_0001>
#map = affine_map<(d0, d1) -> (0, 0)>
#map1 = affine_map<(d0, d1) -> (0, 0, 0, 0)>
#map2 = affine_map<(d0, d1) -> (0, 0, 0)>
module attributes {stable_mosaic.version = 14 : i64} {
  func.func @agg_kernel(%arg0: i32, %arg1: i32, %arg2: memref<10000x128xf32, #tpu.memory_space<hbm>>, %arg3: memref<32x128x2x80xi32, #tpu.memory_space<hbm>>, %arg4: memref<2x10000x128xf32, #tpu.memory_space<hbm>>, %arg5: memref<2x80xi32, #tpu.memory_space<vmem>>, %arg6: memref<2x80xi32, #tpu.memory_space<vmem>>, %arg7: memref<80x128xf32, #tpu.memory_space<vmem>>, %arg8: memref<80x128xf32, #tpu.memory_space<vmem>>, %arg9: memref<80x128xf32, #tpu.memory_space<vmem>>, %arg10: memref<10000x128xf32, #tpu.memory_space<vmem_shared>>, %arg11: memref<!tpu.dma_semaphore, #tpu.memory_space<semaphore_mem>>, %arg12: memref<!tpu.dma_semaphore, #tpu.memory_space<semaphore_mem>>, %arg13: memref<!tpu.dma_semaphore, #tpu.memory_space<semaphore_mem>>, %arg14: memref<!tpu.dma_semaphore, #tpu.memory_space<semaphore_mem>>) attributes {dimension_semantics = [#tpu.dimension_semantics<core_parallel>, #tpu.dimension_semantics<subcore_parallel>], iteration_bounds = array<i64: 2, 16>, scalar_prefetch = 0 : i64, scratch_operands = 10 : i64, tpu.core_type = #tpu.core_type<sc_vector_subcore>, window_params = [{transform_indices = #map}, {transform_indices = #map1}, {transform_indices = #map2}]} {
    %mul3A = arith.constant 16 : i32
    %mul3A_0 = arith.muli %arg0, %mul3A : i32
    %add3A = arith.addi %mul3A_0, %arg1 : i32
    %dma_start3A = arith.constant 0 : i32
    %dma_start3A_1 = arith.constant 0 : i32
    %dma_start3A_2 = arith.constant 0 : i32
    %dma_start3A_3 = tpu.memref_slice %arg3[%add3A, %dma_start3A, %dma_start3A_1, %dma_start3A_2] : memref<32x128x2x80xi32, #tpu.memory_space<hbm>> -> memref<1x1x2x80xi32, #tpu.memory_space<hbm>>
    %dma_start3A_4 = tpu.memref_squeeze %dma_start3A_3 : memref<1x1x2x80xi32, #tpu.memory_space<hbm>> -> memref<2x80xi32, #tpu.memory_space<hbm>>
    %dma_start3A_5 = arith.constant 0 : i32
    %dma_start3A_6 = arith.constant 0 : i32
    %dma_start3A_7 = tpu.memref_slice %arg3[%add3A, %dma_start3A, %dma_start3A_5, %dma_start3A_6] : memref<32x128x2x80xi32, #tpu.memory_space<hbm>> -> memref<1x1x2x80xi32, #tpu.memory_space<hbm>>
    %dma_start3A_8 = tpu.memref_squeeze %dma_start3A_7 : memref<1x1x2x80xi32, #tpu.memory_space<hbm>> -> memref<2x80xi32, #tpu.memory_space<hbm>>
    tpu.enqueue_dma source(%dma_start3A_8 : memref<2x80xi32, #tpu.memory_space<hbm>>) target(%arg5 : memref<2x80xi32, #tpu.memory_space<vmem>>) target_semaphore(%arg11 : memref<!tpu.dma_semaphore, #tpu.memory_space<semaphore_mem>>)
    %dma_start3A_9 = arith.constant 1 : i32
    %dma_start3A_10 = arith.constant 0 : i32
    %dma_start3A_11 = arith.constant 0 : i32
    %dma_start3A_12 = tpu.memref_slice %arg3[%add3A, %dma_start3A_9, %dma_start3A_10, %dma_start3A_11] : memref<32x128x2x80xi32, #tpu.memory_space<hbm>> -> memref<1x1x2x80xi32, #tpu.memory_space<hbm>>
    %dma_start3A_13 = tpu.memref_squeeze %dma_start3A_12 : memref<1x1x2x80xi32, #tpu.memory_space<hbm>> -> memref<2x80xi32, #tpu.memory_space<hbm>>
    %dma_start3A_14 = arith.constant 0 : i32
    %dma_start3A_15 = arith.constant 0 : i32
    %dma_start3A_16 = tpu.memref_slice %arg3[%add3A, %dma_start3A_9, %dma_start3A_14, %dma_start3A_15] : memref<32x128x2x80xi32, #tpu.memory_space<hbm>> -> memref<1x1x2x80xi32, #tpu.memory_space<hbm>>
    %dma_start3A_17 = tpu.memref_squeeze %dma_start3A_16 : memref<1x1x2x80xi32, #tpu.memory_space<hbm>> -> memref<2x80xi32, #tpu.memory_space<hbm>>
    tpu.enqueue_dma source(%dma_start3A_17 : memref<2x80xi32, #tpu.memory_space<hbm>>) target(%arg6 : memref<2x80xi32, #tpu.memory_space<vmem>>) target_semaphore(%arg12 : memref<!tpu.dma_semaphore, #tpu.memory_space<semaphore_mem>>)
    %scan3A = arith.constant 0 : i32
    %scan3A_18 = arith.constant 80 : i32
    %scan3A_19 = arith.addi %scan3A, %scan3A_18 : i32
    %scan3A_20 = arith.constant 1 : i32
    scf.for %scan3A_92 = %scan3A to %scan3A_19 step %scan3A_20  : i32 {
      %mul3A_93 = arith.constant 1 : i32
      %mul3A_94 = arith.muli %scan3A_92, %mul3A_93 : i32
      %add3A_95 = arith.constant 0 : i32
      %add3A_96 = arith.addi %add3A_95, %mul3A_94 : i32
      %scan3A_97 = arith.constant 0 : i32
      %scan3A_98 = arith.constant 8 : i32
      %scan3A_99 = arith.addi %scan3A_97, %scan3A_98 : i32
      %scan3A_100 = arith.constant 1 : i32
      scf.for %scan3A_102 = %scan3A_97 to %scan3A_99 step %scan3A_100  : i32 {
        %mul3A_103 = arith.constant 1 : i32
        %mul3A_104 = arith.muli %scan3A_102, %mul3A_103 : i32
        %add3A_105 = arith.constant 0 : i32
        %add3A_106 = arith.addi %add3A_105, %mul3A_104 : i32
        %broadcast_in_dim3A = arith.constant 0.000000e+00 : f32
        %broadcast_in_dim3A_107 = vector.broadcast %broadcast_in_dim3A : f32 to vector<16xf32>
        %mul3A_108 = arith.constant 16 : i32
        %mul3A_109 = arith.muli %add3A_106, %mul3A_108 : i32
        %swap3A = arith.index_cast %add3A_96 : i32 to index
        %swap3A_110 = arith.index_cast %mul3A_109 : i32 to index
        %swap3A_111 = tpu.vector_load %arg9[%swap3A, %swap3A_110] {strides = array<i32>} : memref<80x128xf32, #tpu.memory_space<vmem>>, vector<1x16xf32>,
        %swap3A_112 = vector.shape_cast %swap3A_111 : vector<1x16xf32> to vector<16xf32>
        %swap3A_113 = vector.shape_cast %broadcast_in_dim3A_107 : vector<16xf32> to vector<1x16xf32>
        tpu.vector_store %arg9[%swap3A, %swap3A_110], %swap3A_113 {strides = array<i32>} : memref<80x128xf32, #tpu.memory_space<vmem>>, vector<1x16xf32>,
      }
      %scan3A_101 = arith.constant 8 : i32
    }
    %scan3A_21 = arith.constant 80 : i32
    %sub3A = arith.constant 125 : i32
    %sub3A_22 = arith.subi %sub3A, %arg1 : i32
    %sub3A_23 = arith.constant 16 : i32
    %sub3A_24 = arith.constant 1 : i32
    %sub3A_25 = arith.subi %sub3A_23, %sub3A_24 : i32
    %add3A_26 = arith.addi %sub3A_22, %sub3A_25 : i32
    %div3A = arith.constant 16 : i32
    %div3A_27 = arith.divsi %add3A_26, %div3A : i32
    %while3A = arith.constant 16 : i32
    %while3A_28 = arith.constant 0 : i32
    %while3A_29 = arith.subi %div3A_27, %while3A_28 : i32
    %while3A_30 = arith.addi %while3A_28, %while3A_29 : i32
    %while3A_31 = arith.constant 1 : i32
    %while3A_32 = arith.divsi %while3A_29, %while3A_31 : i32
    %while3A_33 = arith.muli %while3A_32, %while3A_31 : i32
    %while3A_34 = arith.addi %while3A_28, %while3A_33 : i32
    %while3A_35 = arith.constant 1 : i32
    scf.for %while3A_92 = %while3A_28 to %while3A_34 step %while3A_35  : i32 {
      %mul3A_93 = arith.muli %while3A_92, %while3A : i32
      %add3A_94 = arith.addi %arg1, %mul3A_93 : i32
      %mul3A_95 = arith.constant 80 : i32
      %mul3A_96 = arith.muli %add3A_94, %mul3A_95 : i32
      "tpu.region"() ({
        %run_scoped3A_97 = tpu.sem_alloc : memref<!tpu.dma_semaphore, #tpu.memory_space<semaphore_mem>>
        %dma_start3A_98 = arith.constant 0 : i32
        %dma_start3A_99 = tpu.memref_slice %arg10[%mul3A_96, %dma_start3A_98] : memref<10000x128xf32, #tpu.memory_space<vmem_shared>> -> memref<80x128xf32, #tpu.memory_space<vmem_shared>>
        %dma_start3A_100 = arith.constant 0 : i32
        %dma_start3A_101 = tpu.memref_slice %arg10[%mul3A_96, %dma_start3A_100] : memref<10000x128xf32, #tpu.memory_space<vmem_shared>> -> memref<80x128xf32, #tpu.memory_space<vmem_shared>>
        tpu.enqueue_dma source(%arg9 : memref<80x128xf32, #tpu.memory_space<vmem>>) target(%dma_start3A_101 : memref<80x128xf32, #tpu.memory_space<vmem_shared>>) target_semaphore(%run_scoped3A_97 : memref<!tpu.dma_semaphore, #tpu.memory_space<semaphore_mem>>)
        %dma_wait3A_102 = arith.constant 0 : i32
        %dma_wait3A_103 = tpu.memref_slice %arg10[%mul3A_96, %dma_wait3A_102] : memref<10000x128xf32, #tpu.memory_space<vmem_shared>> -> memref<80x128xf32, #tpu.memory_space<vmem_shared>>
        %dma_wait3A_104 = arith.constant 0 : i32
        %dma_wait3A_105 = tpu.memref_slice %arg10[%mul3A_96, %dma_wait3A_104] : memref<10000x128xf32, #tpu.memory_space<vmem_shared>> -> memref<80x128xf32, #tpu.memory_space<vmem_shared>>
        tpu.wait_dma2 semaphore(%run_scoped3A_97 : memref<!tpu.dma_semaphore, #tpu.memory_space<semaphore_mem>>) src(%arg9 : memref<80x128xf32, #tpu.memory_space<vmem>>) dst(%dma_wait3A_105 : memref<80x128xf32, #tpu.memory_space<vmem_shared>>)
        tpu.yield
      }) : () -> ()
    }
    %while3A_36 = arith.constant 1 : i32
    scf.for %while3A_92 = %while3A_34 to %while3A_30 step %while3A_36  : i32 {
      %mul3A_93 = arith.muli %while3A_92, %while3A : i32
      %add3A_94 = arith.addi %arg1, %mul3A_93 : i32
      %mul3A_95 = arith.constant 80 : i32
      %mul3A_96 = arith.muli %add3A_94, %mul3A_95 : i32
      "tpu.region"() ({
        %run_scoped3A_97 = tpu.sem_alloc : memref<!tpu.dma_semaphore, #tpu.memory_space<semaphore_mem>>
        %dma_start3A_98 = arith.constant 0 : i32
        %dma_start3A_99 = tpu.memref_slice %arg10[%mul3A_96, %dma_start3A_98] : memref<10000x128xf32, #tpu.memory_space<vmem_shared>> -> memref<80x128xf32, #tpu.memory_space<vmem_shared>>
        %dma_start3A_100 = arith.constant 0 : i32
        %dma_start3A_101 = tpu.memref_slice %arg10[%mul3A_96, %dma_start3A_100] : memref<10000x128xf32, #tpu.memory_space<vmem_shared>> -> memref<80x128xf32, #tpu.memory_space<vmem_shared>>
        tpu.enqueue_dma source(%arg9 : memref<80x128xf32, #tpu.memory_space<vmem>>) target(%dma_start3A_101 : memref<80x128xf32, #tpu.memory_space<vmem_shared>>) target_semaphore(%run_scoped3A_97 : memref<!tpu.dma_semaphore, #tpu.memory_space<semaphore_mem>>)
        %dma_wait3A_102 = arith.constant 0 : i32
        %dma_wait3A_103 = tpu.memref_slice %arg10[%mul3A_96, %dma_wait3A_102] : memref<10000x128xf32, #tpu.memory_space<vmem_shared>> -> memref<80x128xf32, #tpu.memory_space<vmem_shared>>
        %dma_wait3A_104 = arith.constant 0 : i32
        %dma_wait3A_105 = tpu.memref_slice %arg10[%mul3A_96, %dma_wait3A_104] : memref<10000x128xf32, #tpu.memory_space<vmem_shared>> -> memref<80x128xf32, #tpu.memory_space<vmem_shared>>
        tpu.wait_dma2 semaphore(%run_scoped3A_97 : memref<!tpu.dma_semaphore, #tpu.memory_space<semaphore_mem>>) src(%arg9 : memref<80x128xf32, #tpu.memory_space<vmem>>) dst(%dma_wait3A_105 : memref<80x128xf32, #tpu.memory_space<vmem_shared>>)
        tpu.yield
      }) : () -> ()
    }
    %dma_wait3A = arith.constant 0 : i32
    %dma_wait3A_37 = arith.constant 0 : i32
    %dma_wait3A_38 = arith.constant 0 : i32
    %dma_wait3A_39 = tpu.memref_slice %arg3[%add3A, %dma_wait3A, %dma_wait3A_37, %dma_wait3A_38] : memref<32x128x2x80xi32, #tpu.memory_space<hbm>> -> memref<1x1x2x80xi32, #tpu.memory_space<hbm>>
    %dma_wait3A_40 = tpu.memref_squeeze %dma_wait3A_39 : memref<1x1x2x80xi32, #tpu.memory_space<hbm>> -> memref<2x80xi32, #tpu.memory_space<hbm>>
    %dma_wait3A_41 = arith.constant 0 : i32
    %dma_wait3A_42 = arith.constant 0 : i32
    %dma_wait3A_43 = tpu.memref_slice %arg3[%add3A, %dma_wait3A, %dma_wait3A_41, %dma_wait3A_42] : memref<32x128x2x80xi32, #tpu.memory_space<hbm>> -> memref<1x1x2x80xi32, #tpu.memory_space<hbm>>
    %dma_wait3A_44 = tpu.memref_squeeze %dma_wait3A_43 : memref<1x1x2x80xi32, #tpu.memory_space<hbm>> -> memref<2x80xi32, #tpu.memory_space<hbm>>
    tpu.wait_dma2 semaphore(%arg11 : memref<!tpu.dma_semaphore, #tpu.memory_space<semaphore_mem>>) src(%dma_wait3A_44 : memref<2x80xi32, #tpu.memory_space<hbm>>) dst(%arg5 : memref<2x80xi32, #tpu.memory_space<vmem>>)
    %dma_start3A_45 = arith.constant 0 : i32
    %dma_start3A_46 = arith.constant 0 : i32
    %dma_start3A_47 = tpu.memref_slice %arg5[%dma_start3A_45, %dma_start3A_46] : memref<2x80xi32, #tpu.memory_space<vmem>> -> memref<1x80xi32, #tpu.memory_space<vmem>>
    %dma_start3A_48 = tpu.memref_squeeze %dma_start3A_47 : memref<1x80xi32, #tpu.memory_space<vmem>> -> memref<80xi32, #tpu.memory_space<vmem>>
    %dma_start3A_49 = arith.constant 0 : i32
    %dma_start3A_50 = arith.constant 0 : i32
    %dma_start3A_51 = tpu.memref_slice %arg2[%dma_start3A_49, %dma_start3A_50] : memref<10000x128xf32, #tpu.memory_space<hbm>> -> memref<10000x128xf32, #tpu.memory_space<hbm>>
    tpu.enqueue_indirect_dma source(%dma_start3A_51 : memref<10000x128xf32, #tpu.memory_space<hbm>>) target(%arg7 : memref<80x128xf32, #tpu.memory_space<vmem>>) offsets(%dma_start3A_48 : memref<80xi32, #tpu.memory_space<vmem>>) semaphore(%arg13 : memref<!tpu.dma_semaphore, #tpu.memory_space<semaphore_mem>>)
    %barrier3A = arith.constant 0 : index
    tpu.barrier barrier_id(%barrier3A)
    %scan3A_52 = arith.constant 0 : i32
    %scan3A_53 = arith.constant 62 : i32
    %scan3A_54 = arith.addi %scan3A_52, %scan3A_53 : i32
    %scan3A_55 = arith.constant 1 : i32
    scf.for %scan3A_92 = %scan3A_52 to %scan3A_54 step %scan3A_55  : i32 {
      %mul3A_93 = arith.constant 2 : i32
      %mul3A_94 = arith.muli %scan3A_92, %mul3A_93 : i32
      %add3A_95 = arith.constant 0 : i32
      %add3A_96 = arith.addi %add3A_95, %mul3A_94 : i32
      %add3A_97 = arith.constant 1 : i32
      %add3A_98 = arith.addi %add3A_96, %add3A_97 : i32
      %dma_wait3A_99 = arith.constant 0 : i32
      %dma_wait3A_100 = arith.constant 0 : i32
      %dma_wait3A_101 = tpu.memref_slice %arg3[%add3A, %add3A_98, %dma_wait3A_99, %dma_wait3A_100] : memref<32x128x2x80xi32, #tpu.memory_space<hbm>> -> memref<1x1x2x80xi32, #tpu.memory_space<hbm>>
      %dma_wait3A_102 = tpu.memref_squeeze %dma_wait3A_101 : memref<1x1x2x80xi32, #tpu.memory_space<hbm>> -> memref<2x80xi32, #tpu.memory_space<hbm>>
      %dma_wait3A_103 = arith.constant 0 : i32
      %dma_wait3A_104 = arith.constant 0 : i32
      %dma_wait3A_105 = tpu.memref_slice %arg3[%add3A, %add3A_98, %dma_wait3A_103, %dma_wait3A_104] : memref<32x128x2x80xi32, #tpu.memory_space<hbm>> -> memref<1x1x2x80xi32, #tpu.memory_space<hbm>>
      %dma_wait3A_106 = tpu.memref_squeeze %dma_wait3A_105 : memref<1x1x2x80xi32, #tpu.memory_space<hbm>> -> memref<2x80xi32, #tpu.memory_space<hbm>>
      tpu.wait_dma2 semaphore(%arg12 : memref<!tpu.dma_semaphore, #tpu.memory_space<semaphore_mem>>) src(%dma_wait3A_106 : memref<2x80xi32, #tpu.memory_space<hbm>>) dst(%arg6 : memref<2x80xi32, #tpu.memory_space<vmem>>)
      %dma_start3A_107 = arith.constant 0 : i32
      %dma_start3A_108 = arith.constant 0 : i32
      %dma_start3A_109 = tpu.memref_slice %arg6[%dma_start3A_107, %dma_start3A_108] : memref<2x80xi32, #tpu.memory_space<vmem>> -> memref<1x80xi32, #tpu.memory_space<vmem>>
      %dma_start3A_110 = tpu.memref_squeeze %dma_start3A_109 : memref<1x80xi32, #tpu.memory_space<vmem>> -> memref<80xi32, #tpu.memory_space<vmem>>
      %dma_start3A_111 = arith.constant 0 : i32
      %dma_start3A_112 = arith.constant 0 : i32
      %dma_start3A_113 = tpu.memref_slice %arg2[%dma_start3A_111, %dma_start3A_112] : memref<10000x128xf32, #tpu.memory_space<hbm>> -> memref<10000x128xf32, #tpu.memory_space<hbm>>
      tpu.enqueue_indirect_dma source(%dma_start3A_113 : memref<10000x128xf32, #tpu.memory_space<hbm>>) target(%arg8 : memref<80x128xf32, #tpu.memory_space<vmem>>) offsets(%dma_start3A_110 : memref<80xi32, #tpu.memory_space<vmem>>) semaphore(%arg14 : memref<!tpu.dma_semaphore, #tpu.memory_space<semaphore_mem>>)
      %dma_wait3A_114 = arith.constant 0 : i32
      %dma_wait3A_115 = arith.constant 0 : i32
      %dma_wait3A_116 = tpu.memref_slice %arg5[%dma_wait3A_114, %dma_wait3A_115] : memref<2x80xi32, #tpu.memory_space<vmem>> -> memref<1x80xi32, #tpu.memory_space<vmem>>
      %dma_wait3A_117 = tpu.memref_squeeze %dma_wait3A_116 : memref<1x80xi32, #tpu.memory_space<vmem>> -> memref<80xi32, #tpu.memory_space<vmem>>
      %dma_wait3A_118 = arith.constant 0 : i32
      %dma_wait3A_119 = arith.constant 0 : i32
      %dma_wait3A_120 = tpu.memref_slice %arg2[%dma_wait3A_118, %dma_wait3A_119] : memref<10000x128xf32, #tpu.memory_space<hbm>> -> memref<10000x128xf32, #tpu.memory_space<hbm>>
      tpu.wait_indirect_dma semaphore(%arg13 : memref<!tpu.dma_semaphore, #tpu.memory_space<semaphore_mem>>) src(%dma_wait3A_120 : memref<10000x128xf32, #tpu.memory_space<hbm>>) dst(%arg7 : memref<80x128xf32, #tpu.memory_space<vmem>>)
      %run_scoped3A_121 = arith.constant 1 : i32
      "tpu.region"() ({
        %run_scoped3A_167 = tpu.sem_alloc : memref<!tpu.dma_semaphore, #tpu.memory_space<semaphore_mem>>
        %dma_start3A_168 = arith.constant 0 : i32
        %dma_start3A_169 = tpu.memref_slice %arg5[%run_scoped3A_121, %dma_start3A_168] : memref<2x80xi32, #tpu.memory_space<vmem>> -> memref<1x80xi32, #tpu.memory_space<vmem>>
        %dma_start3A_170 = tpu.memref_squeeze %dma_start3A_169 : memref<1x80xi32, #tpu.memory_space<vmem>> -> memref<80xi32, #tpu.memory_space<vmem>>
        %dma_start3A_171 = arith.constant 0 : i32
        %dma_start3A_172 = arith.constant 0 : i32
        %dma_start3A_173 = tpu.memref_slice %arg10[%dma_start3A_171, %dma_start3A_172] : memref<10000x128xf32, #tpu.memory_space<vmem_shared>> -> memref<10000x128xf32, #tpu.memory_space<vmem_shared>>
        tpu.enqueue_indirect_dma source(%arg7 : memref<80x128xf32, #tpu.memory_space<vmem>>) target(%dma_start3A_173 : memref<10000x128xf32, #tpu.memory_space<vmem_shared>>) offsets(%dma_start3A_170 : memref<80xi32, #tpu.memory_space<vmem>>) semaphore(%run_scoped3A_167 : memref<!tpu.dma_semaphore, #tpu.memory_space<semaphore_mem>>) {add = true}
        %dma_wait3A_174 = arith.constant 0 : i32
        %dma_wait3A_175 = tpu.memref_slice %arg5[%run_scoped3A_121, %dma_wait3A_174] : memref<2x80xi32, #tpu.memory_space<vmem>> -> memref<1x80xi32, #tpu.memory_space<vmem>>
        %dma_wait3A_176 = tpu.memref_squeeze %dma_wait3A_175 : memref<1x80xi32, #tpu.memory_space<vmem>> -> memref<80xi32, #tpu.memory_space<vmem>>
        %dma_wait3A_177 = arith.constant 0 : i32
        %dma_wait3A_178 = arith.constant 0 : i32
        %dma_wait3A_179 = tpu.memref_slice %arg10[%dma_wait3A_177, %dma_wait3A_178] : memref<10000x128xf32, #tpu.memory_space<vmem_shared>> -> memref<10000x128xf32, #tpu.memory_space<vmem_shared>>
        tpu.wait_indirect_dma semaphore(%run_scoped3A_167 : memref<!tpu.dma_semaphore, #tpu.memory_space<semaphore_mem>>) src(%arg7 : memref<80x128xf32, #tpu.memory_space<vmem>>) dst(%dma_wait3A_179 : memref<10000x128xf32, #tpu.memory_space<vmem_shared>>)
        tpu.yield
      }) : () -> ()
      %add3A_122 = arith.constant 2 : i32
      %add3A_123 = arith.addi %add3A_96, %add3A_122 : i32
      %dma_start3A_124 = arith.constant 0 : i32
      %dma_start3A_125 = arith.constant 0 : i32
      %dma_start3A_126 = tpu.memref_slice %arg3[%add3A, %add3A_123, %dma_start3A_124, %dma_start3A_125] : memref<32x128x2x80xi32, #tpu.memory_space<hbm>> -> memref<1x1x2x80xi32, #tpu.memory_space<hbm>>
      %dma_start3A_127 = tpu.memref_squeeze %dma_start3A_126 : memref<1x1x2x80xi32, #tpu.memory_space<hbm>> -> memref<2x80xi32, #tpu.memory_space<hbm>>
      %dma_start3A_128 = arith.constant 0 : i32
      %dma_start3A_129 = arith.constant 0 : i32
      %dma_start3A_130 = tpu.memref_slice %arg3[%add3A, %add3A_123, %dma_start3A_128, %dma_start3A_129] : memref<32x128x2x80xi32, #tpu.memory_space<hbm>> -> memref<1x1x2x80xi32, #tpu.memory_space<hbm>>
      %dma_start3A_131 = tpu.memref_squeeze %dma_start3A_130 : memref<1x1x2x80xi32, #tpu.memory_space<hbm>> -> memref<2x80xi32, #tpu.memory_space<hbm>>
      tpu.enqueue_dma source(%dma_start3A_131 : memref<2x80xi32, #tpu.memory_space<hbm>>) target(%arg5 : memref<2x80xi32, #tpu.memory_space<vmem>>) target_semaphore(%arg11 : memref<!tpu.dma_semaphore, #tpu.memory_space<semaphore_mem>>)
      %dma_wait3A_132 = arith.constant 0 : i32
      %dma_wait3A_133 = arith.constant 0 : i32
      %dma_wait3A_134 = tpu.memref_slice %arg6[%dma_wait3A_132, %dma_wait3A_133] : memref<2x80xi32, #tpu.memory_space<vmem>> -> memref<1x80xi32, #tpu.memory_space<vmem>>
      %dma_wait3A_135 = tpu.memref_squeeze %dma_wait3A_134 : memref<1x80xi32, #tpu.memory_space<vmem>> -> memref<80xi32, #tpu.memory_space<vmem>>
      %dma_wait3A_136 = arith.constant 0 : i32
      %dma_wait3A_137 = arith.constant 0 : i32
      %dma_wait3A_138 = tpu.memref_slice %arg2[%dma_wait3A_136, %dma_wait3A_137] : memref<10000x128xf32, #tpu.memory_space<hbm>> -> memref<10000x128xf32, #tpu.memory_space<hbm>>
      tpu.wait_indirect_dma semaphore(%arg14 : memref<!tpu.dma_semaphore, #tpu.memory_space<semaphore_mem>>) src(%dma_wait3A_138 : memref<10000x128xf32, #tpu.memory_space<hbm>>) dst(%arg8 : memref<80x128xf32, #tpu.memory_space<vmem>>)
      %run_scoped3A_139 = arith.constant 1 : i32
      "tpu.region"() ({
        %run_scoped3A_167 = tpu.sem_alloc : memref<!tpu.dma_semaphore, #tpu.memory_space<semaphore_mem>>
        %dma_start3A_168 = arith.constant 0 : i32
        %dma_start3A_169 = tpu.memref_slice %arg6[%run_scoped3A_139, %dma_start3A_168] : memref<2x80xi32, #tpu.memory_space<vmem>> -> memref<1x80xi32, #tpu.memory_space<vmem>>
        %dma_start3A_170 = tpu.memref_squeeze %dma_start3A_169 : memref<1x80xi32, #tpu.memory_space<vmem>> -> memref<80xi32, #tpu.memory_space<vmem>>
        %dma_start3A_171 = arith.constant 0 : i32
        %dma_start3A_172 = arith.constant 0 : i32
        %dma_start3A_173 = tpu.memref_slice %arg10[%dma_start3A_171, %dma_start3A_172] : memref<10000x128xf32, #tpu.memory_space<vmem_shared>> -> memref<10000x128xf32, #tpu.memory_space<vmem_shared>>
        tpu.enqueue_indirect_dma source(%arg8 : memref<80x128xf32, #tpu.memory_space<vmem>>) target(%dma_start3A_173 : memref<10000x128xf32, #tpu.memory_space<vmem_shared>>) offsets(%dma_start3A_170 : memref<80xi32, #tpu.memory_space<vmem>>) semaphore(%run_scoped3A_167 : memref<!tpu.dma_semaphore, #tpu.memory_space<semaphore_mem>>) {add = true}
        %dma_wait3A_174 = arith.constant 0 : i32
        %dma_wait3A_175 = tpu.memref_slice %arg6[%run_scoped3A_139, %dma_wait3A_174] : memref<2x80xi32, #tpu.memory_space<vmem>> -> memref<1x80xi32, #tpu.memory_space<vmem>>
        %dma_wait3A_176 = tpu.memref_squeeze %dma_wait3A_175 : memref<1x80xi32, #tpu.memory_space<vmem>> -> memref<80xi32, #tpu.memory_space<vmem>>
        %dma_wait3A_177 = arith.constant 0 : i32
        %dma_wait3A_178 = arith.constant 0 : i32
        %dma_wait3A_179 = tpu.memref_slice %arg10[%dma_wait3A_177, %dma_wait3A_178] : memref<10000x128xf32, #tpu.memory_space<vmem_shared>> -> memref<10000x128xf32, #tpu.memory_space<vmem_shared>>
        tpu.wait_indirect_dma semaphore(%run_scoped3A_167 : memref<!tpu.dma_semaphore, #tpu.memory_space<semaphore_mem>>) src(%arg8 : memref<80x128xf32, #tpu.memory_space<vmem>>) dst(%dma_wait3A_179 : memref<10000x128xf32, #tpu.memory_space<vmem_shared>>)
        tpu.yield
      }) : () -> ()
      %add3A_140 = arith.constant 3 : i32
      %add3A_141 = arith.addi %add3A_96, %add3A_140 : i32
      %dma_start3A_142 = arith.constant 0 : i32
      %dma_start3A_143 = arith.constant 0 : i32
      %dma_start3A_144 = tpu.memref_slice %arg3[%add3A, %add3A_141, %dma_start3A_142, %dma_start3A_143] : memref<32x128x2x80xi32, #tpu.memory_space<hbm>> -> memref<1x1x2x80xi32, #tpu.memory_space<hbm>>
      %dma_start3A_145 = tpu.memref_squeeze %dma_start3A_144 : memref<1x1x2x80xi32, #tpu.memory_space<hbm>> -> memref<2x80xi32, #tpu.memory_space<hbm>>
      %dma_start3A_146 = arith.constant 0 : i32
      %dma_start3A_147 = arith.constant 0 : i32
      %dma_start3A_148 = tpu.memref_slice %arg3[%add3A, %add3A_141, %dma_start3A_146, %dma_start3A_147] : memref<32x128x2x80xi32, #tpu.memory_space<hbm>> -> memref<1x1x2x80xi32, #tpu.memory_space<hbm>>
      %dma_start3A_149 = tpu.memref_squeeze %dma_start3A_148 : memref<1x1x2x80xi32, #tpu.memory_space<hbm>> -> memref<2x80xi32, #tpu.memory_space<hbm>>
      tpu.enqueue_dma source(%dma_start3A_149 : memref<2x80xi32, #tpu.memory_space<hbm>>) target(%arg6 : memref<2x80xi32, #tpu.memory_space<vmem>>) target_semaphore(%arg12 : memref<!tpu.dma_semaphore, #tpu.memory_space<semaphore_mem>>)
      %add3A_150 = arith.constant 2 : i32
      %add3A_151 = arith.addi %add3A_96, %add3A_150 : i32
      %dma_wait3A_152 = arith.constant 0 : i32
      %dma_wait3A_153 = arith.constant 0 : i32
      %dma_wait3A_154 = tpu.memref_slice %arg3[%add3A, %add3A_151, %dma_wait3A_152, %dma_wait3A_153] : memref<32x128x2x80xi32, #tpu.memory_space<hbm>> -> memref<1x1x2x80xi32, #tpu.memory_space<hbm>>
      %dma_wait3A_155 = tpu.memref_squeeze %dma_wait3A_154 : memref<1x1x2x80xi32, #tpu.memory_space<hbm>> -> memref<2x80xi32, #tpu.memory_space<hbm>>
      %dma_wait3A_156 = arith.constant 0 : i32
      %dma_wait3A_157 = arith.constant 0 : i32
      %dma_wait3A_158 = tpu.memref_slice %arg3[%add3A, %add3A_151, %dma_wait3A_156, %dma_wait3A_157] : memref<32x128x2x80xi32, #tpu.memory_space<hbm>> -> memref<1x1x2x80xi32, #tpu.memory_space<hbm>>
      %dma_wait3A_159 = tpu.memref_squeeze %dma_wait3A_158 : memref<1x1x2x80xi32, #tpu.memory_space<hbm>> -> memref<2x80xi32, #tpu.memory_space<hbm>>
      tpu.wait_dma2 semaphore(%arg11 : memref<!tpu.dma_semaphore, #tpu.memory_space<semaphore_mem>>) src(%dma_wait3A_159 : memref<2x80xi32, #tpu.memory_space<hbm>>) dst(%arg5 : memref<2x80xi32, #tpu.memory_space<vmem>>)
      %dma_start3A_160 = arith.constant 0 : i32
      %dma_start3A_161 = arith.constant 0 : i32
      %dma_start3A_162 = tpu.memref_slice %arg5[%dma_start3A_160, %dma_start3A_161] : memref<2x80xi32, #tpu.memory_space<vmem>> -> memref<1x80xi32, #tpu.memory_space<vmem>>
      %dma_start3A_163 = tpu.memref_squeeze %dma_start3A_162 : memref<1x80xi32, #tpu.memory_space<vmem>> -> memref<80xi32, #tpu.memory_space<vmem>>
      %dma_start3A_164 = arith.constant 0 : i32
      %dma_start3A_165 = arith.constant 0 : i32
      %dma_start3A_166 = tpu.memref_slice %arg2[%dma_start3A_164, %dma_start3A_165] : memref<10000x128xf32, #tpu.memory_space<hbm>> -> memref<10000x128xf32, #tpu.memory_space<hbm>>
      tpu.enqueue_indirect_dma source(%dma_start3A_166 : memref<10000x128xf32, #tpu.memory_space<hbm>>) target(%arg7 : memref<80x128xf32, #tpu.memory_space<vmem>>) offsets(%dma_start3A_163 : memref<80xi32, #tpu.memory_space<vmem>>) semaphore(%arg13 : memref<!tpu.dma_semaphore, #tpu.memory_space<semaphore_mem>>)
    }
    %scan3A_56 = arith.constant 62 : i32
    %dma_wait3A_57 = arith.constant 0 : i32
    %dma_wait3A_58 = arith.constant 0 : i32
    %dma_wait3A_59 = tpu.memref_slice %arg5[%dma_wait3A_57, %dma_wait3A_58] : memref<2x80xi32, #tpu.memory_space<vmem>> -> memref<1x80xi32, #tpu.memory_space<vmem>>
    %dma_wait3A_60 = tpu.memref_squeeze %dma_wait3A_59 : memref<1x80xi32, #tpu.memory_space<vmem>> -> memref<80xi32, #tpu.memory_space<vmem>>
    %dma_wait3A_61 = arith.constant 0 : i32
    %dma_wait3A_62 = arith.constant 0 : i32
    %dma_wait3A_63 = tpu.memref_slice %arg2[%dma_wait3A_61, %dma_wait3A_62] : memref<10000x128xf32, #tpu.memory_space<hbm>> -> memref<10000x128xf32, #tpu.memory_space<hbm>>
    tpu.wait_indirect_dma semaphore(%arg13 : memref<!tpu.dma_semaphore, #tpu.memory_space<semaphore_mem>>) src(%dma_wait3A_63 : memref<10000x128xf32, #tpu.memory_space<hbm>>) dst(%arg7 : memref<80x128xf32, #tpu.memory_space<vmem>>)
    %run_scoped3A = arith.constant 1 : i32
    "tpu.region"() ({
      %run_scoped3A_92 = tpu.sem_alloc : memref<!tpu.dma_semaphore, #tpu.memory_space<semaphore_mem>>
      %dma_start3A_93 = arith.constant 0 : i32
      %dma_start3A_94 = tpu.memref_slice %arg5[%run_scoped3A, %dma_start3A_93] : memref<2x80xi32, #tpu.memory_space<vmem>> -> memref<1x80xi32, #tpu.memory_space<vmem>>
      %dma_start3A_95 = tpu.memref_squeeze %dma_start3A_94 : memref<1x80xi32, #tpu.memory_space<vmem>> -> memref<80xi32, #tpu.memory_space<vmem>>
      %dma_start3A_96 = arith.constant 0 : i32
      %dma_start3A_97 = arith.constant 0 : i32
      %dma_start3A_98 = tpu.memref_slice %arg10[%dma_start3A_96, %dma_start3A_97] : memref<10000x128xf32, #tpu.memory_space<vmem_shared>> -> memref<10000x128xf32, #tpu.memory_space<vmem_shared>>
      tpu.enqueue_indirect_dma source(%arg7 : memref<80x128xf32, #tpu.memory_space<vmem>>) target(%dma_start3A_98 : memref<10000x128xf32, #tpu.memory_space<vmem_shared>>) offsets(%dma_start3A_95 : memref<80xi32, #tpu.memory_space<vmem>>) semaphore(%run_scoped3A_92 : memref<!tpu.dma_semaphore, #tpu.memory_space<semaphore_mem>>) {add = true}
      %dma_wait3A_99 = arith.constant 0 : i32
      %dma_wait3A_100 = tpu.memref_slice %arg5[%run_scoped3A, %dma_wait3A_99] : memref<2x80xi32, #tpu.memory_space<vmem>> -> memref<1x80xi32, #tpu.memory_space<vmem>>
      %dma_wait3A_101 = tpu.memref_squeeze %dma_wait3A_100 : memref<1x80xi32, #tpu.memory_space<vmem>> -> memref<80xi32, #tpu.memory_space<vmem>>
      %dma_wait3A_102 = arith.constant 0 : i32
      %dma_wait3A_103 = arith.constant 0 : i32
      %dma_wait3A_104 = tpu.memref_slice %arg10[%dma_wait3A_102, %dma_wait3A_103] : memref<10000x128xf32, #tpu.memory_space<vmem_shared>> -> memref<10000x128xf32, #tpu.memory_space<vmem_shared>>
      tpu.wait_indirect_dma semaphore(%run_scoped3A_92 : memref<!tpu.dma_semaphore, #tpu.memory_space<semaphore_mem>>) src(%arg7 : memref<80x128xf32, #tpu.memory_space<vmem>>) dst(%dma_wait3A_104 : memref<10000x128xf32, #tpu.memory_space<vmem_shared>>)
      tpu.yield
    }) : () -> ()
    %dma_wait3A_64 = arith.constant 0 : i32
    %dma_wait3A_65 = arith.constant 0 : i32
    %dma_wait3A_66 = arith.constant 0 : i32
    %dma_wait3A_67 = tpu.memref_slice %arg3[%add3A, %dma_wait3A_64, %dma_wait3A_65, %dma_wait3A_66] : memref<32x128x2x80xi32, #tpu.memory_space<hbm>> -> memref<1x1x2x80xi32, #tpu.memory_space<hbm>>
    %dma_wait3A_68 = tpu.memref_squeeze %dma_wait3A_67 : memref<1x1x2x80xi32, #tpu.memory_space<hbm>> -> memref<2x80xi32, #tpu.memory_space<hbm>>
    %dma_wait3A_69 = arith.constant 0 : i32
    %dma_wait3A_70 = arith.constant 0 : i32
    %dma_wait3A_71 = tpu.memref_slice %arg3[%add3A, %dma_wait3A_64, %dma_wait3A_69, %dma_wait3A_70] : memref<32x128x2x80xi32, #tpu.memory_space<hbm>> -> memref<1x1x2x80xi32, #tpu.memory_space<hbm>>
    %dma_wait3A_72 = tpu.memref_squeeze %dma_wait3A_71 : memref<1x1x2x80xi32, #tpu.memory_space<hbm>> -> memref<2x80xi32, #tpu.memory_space<hbm>>
    tpu.wait_dma2 semaphore(%arg12 : memref<!tpu.dma_semaphore, #tpu.memory_space<semaphore_mem>>) src(%dma_wait3A_72 : memref<2x80xi32, #tpu.memory_space<hbm>>) dst(%arg6 : memref<2x80xi32, #tpu.memory_space<vmem>>)
    %barrier3A_73 = arith.constant 0 : index
    tpu.barrier barrier_id(%barrier3A_73)
    %sub3A_74 = arith.constant 125 : i32
    %sub3A_75 = arith.subi %sub3A_74, %arg1 : i32
    %sub3A_76 = arith.constant 16 : i32
    %sub3A_77 = arith.constant 1 : i32
    %sub3A_78 = arith.subi %sub3A_76, %sub3A_77 : i32
    %add3A_79 = arith.addi %sub3A_75, %sub3A_78 : i32
    %div3A_80 = arith.constant 16 : i32
    %div3A_81 = arith.divsi %add3A_79, %div3A_80 : i32
    %while3A_82 = arith.constant 16 : i32
    %while3A_83 = arith.constant 0 : i32
    %while3A_84 = arith.subi %div3A_81, %while3A_83 : i32
    %while3A_85 = arith.addi %while3A_83, %while3A_84 : i32
    %while3A_86 = arith.constant 1 : i32
    %while3A_87 = arith.divsi %while3A_84, %while3A_86 : i32
    %while3A_88 = arith.muli %while3A_87, %while3A_86 : i32
    %while3A_89 = arith.addi %while3A_83, %while3A_88 : i32
    %while3A_90 = arith.constant 1 : i32
    scf.for %while3A_92 = %while3A_83 to %while3A_89 step %while3A_90  : i32 {
      %mul3A_93 = arith.muli %while3A_92, %while3A_82 : i32
      %add3A_94 = arith.addi %arg1, %mul3A_93 : i32
      %mul3A_95 = arith.constant 80 : i32
      %mul3A_96 = arith.muli %add3A_94, %mul3A_95 : i32
      "tpu.region"() ({
        %run_scoped3A_97 = tpu.sem_alloc : memref<!tpu.dma_semaphore, #tpu.memory_space<semaphore_mem>>
        %dma_start3A_98 = arith.constant 0 : i32
        %dma_start3A_99 = tpu.memref_slice %arg4[%arg0, %mul3A_96, %dma_start3A_98] : memref<2x10000x128xf32, #tpu.memory_space<hbm>> -> memref<1x80x128xf32, #tpu.memory_space<hbm>>
        %dma_start3A_100 = tpu.memref_squeeze %dma_start3A_99 : memref<1x80x128xf32, #tpu.memory_space<hbm>> -> memref<80x128xf32, #tpu.memory_space<hbm>>
        %dma_start3A_101 = arith.constant 0 : i32
        %dma_start3A_102 = tpu.memref_slice %arg10[%mul3A_96, %dma_start3A_101] : memref<10000x128xf32, #tpu.memory_space<vmem_shared>> -> memref<80x128xf32, #tpu.memory_space<vmem_shared>>
        tpu.enqueue_dma source(%dma_start3A_102 : memref<80x128xf32, #tpu.memory_space<vmem_shared>>) target(%dma_start3A_100 : memref<80x128xf32, #tpu.memory_space<hbm>>) target_semaphore(%run_scoped3A_97 : memref<!tpu.dma_semaphore, #tpu.memory_space<semaphore_mem>>)
        %dma_wait3A_103 = arith.constant 0 : i32
        %dma_wait3A_104 = tpu.memref_slice %arg4[%arg0, %mul3A_96, %dma_wait3A_103] : memref<2x10000x128xf32, #tpu.memory_space<hbm>> -> memref<1x80x128xf32, #tpu.memory_space<hbm>>
        %dma_wait3A_105 = tpu.memref_squeeze %dma_wait3A_104 : memref<1x80x128xf32, #tpu.memory_space<hbm>> -> memref<80x128xf32, #tpu.memory_space<hbm>>
        %dma_wait3A_106 = arith.constant 0 : i32
        %dma_wait3A_107 = tpu.memref_slice %arg10[%mul3A_96, %dma_wait3A_106] : memref<10000x128xf32, #tpu.memory_space<vmem_shared>> -> memref<80x128xf32, #tpu.memory_space<vmem_shared>>
        tpu.wait_dma2 semaphore(%run_scoped3A_97 : memref<!tpu.dma_semaphore, #tpu.memory_space<semaphore_mem>>) src(%dma_wait3A_107 : memref<80x128xf32, #tpu.memory_space<vmem_shared>>) dst(%dma_wait3A_105 : memref<80x128xf32, #tpu.memory_space<hbm>>)
        tpu.yield
      }) : () -> ()
    }
    %while3A_91 = arith.constant 1 : i32
    scf.for %while3A_92 = %while3A_89 to %while3A_85 step %while3A_91  : i32 {
      %mul3A_93 = arith.muli %while3A_92, %while3A_82 : i32
      %add3A_94 = arith.addi %arg1, %mul3A_93 : i32
      %mul3A_95 = arith.constant 80 : i32
      %mul3A_96 = arith.muli %add3A_94, %mul3A_95 : i32
      "tpu.region"() ({
        %run_scoped3A_97 = tpu.sem_alloc : memref<!tpu.dma_semaphore, #tpu.memory_space<semaphore_mem>>
        %dma_start3A_98 = arith.constant 0 : i32
        %dma_start3A_99 = tpu.memref_slice %arg4[%arg0, %mul3A_96, %dma_start3A_98] : memref<2x10000x128xf32, #tpu.memory_space<hbm>> -> memref<1x80x128xf32, #tpu.memory_space<hbm>>
        %dma_start3A_100 = tpu.memref_squeeze %dma_start3A_99 : memref<1x80x128xf32, #tpu.memory_space<hbm>> -> memref<80x128xf32, #tpu.memory_space<hbm>>
        %dma_start3A_101 = arith.constant 0 : i32
        %dma_start3A_102 = tpu.memref_slice %arg10[%mul3A_96, %dma_start3A_101] : memref<10000x128xf32, #tpu.memory_space<vmem_shared>> -> memref<80x128xf32, #tpu.memory_space<vmem_shared>>
        tpu.enqueue_dma source(%dma_start3A_102 : memref<80x128xf32, #tpu.memory_space<vmem_shared>>) target(%dma_start3A_100 : memref<80x128xf32, #tpu.memory_space<hbm>>) target_semaphore(%run_scoped3A_97 : memref<!tpu.dma_semaphore, #tpu.memory_space<semaphore_mem>>)
        %dma_wait3A_103 = arith.constant 0 : i32
        %dma_wait3A_104 = tpu.memref_slice %arg4[%arg0, %mul3A_96, %dma_wait3A_103] : memref<2x10000x128xf32, #tpu.memory_space<hbm>> -> memref<1x80x128xf32, #tpu.memory_space<hbm>>
        %dma_wait3A_105 = tpu.memref_squeeze %dma_wait3A_104 : memref<1x80x128xf32, #tpu.memory_space<hbm>> -> memref<80x128xf32, #tpu.memory_space<hbm>>
        %dma_wait3A_106 = arith.constant 0 : i32
        %dma_wait3A_107 = tpu.memref_slice %arg10[%mul3A_96, %dma_wait3A_106] : memref<10000x128xf32, #tpu.memory_space<vmem_shared>> -> memref<80x128xf32, #tpu.memory_space<vmem_shared>>
        tpu.wait_dma2 semaphore(%run_scoped3A_97 : memref<!tpu.dma_semaphore, #tpu.memory_space<semaphore_mem>>) src(%dma_wait3A_107 : memref<80x128xf32, #tpu.memory_space<vmem_shared>>) dst(%dma_wait3A_105 : memref<80x128xf32, #tpu.memory_space<hbm>>)
        tpu.yield
      }) : () -> ()
    }
    return
  }
}

#map = affine_map<(d0, d1) -> (0, 0)>
#map1 = affine_map<(d0, d1) -> (0, 0, 0, 0)>
#map2 = affine_map<(d0, d1) -> (0, 0, 0)>
module attributes {stable_mosaic.version = 14 : i64} {
  func.func @agg_kernel(%arg0: i32, %arg1: i32, %arg2: memref<10000x128xf32, #tpu.memory_space<hbm>>, %arg3: memref<32x128x2x80xi32, #tpu.memory_space<hbm>>, %arg4: memref<2x10000x128xf32, #tpu.memory_space<hbm>>, %arg5: memref<2x80xi32, #tpu.memory_space<vmem>>, %arg6: memref<2x80xi32, #tpu.memory_space<vmem>>, %arg7: memref<80x128xf32, #tpu.memory_space<vmem>>, %arg8: memref<80x128xf32, #tpu.memory_space<vmem>>, %arg9: memref<80x128xf32, #tpu.memory_space<vmem>>, %arg10: memref<10000x128xf32, #tpu.memory_space<vmem_shared>>, %arg11: memref<!tpu.dma_semaphore, #tpu.memory_space<semaphore_mem>>, %arg12: memref<!tpu.dma_semaphore, #tpu.memory_space<semaphore_mem>>, %arg13: memref<!tpu.dma_semaphore, #tpu.memory_space<semaphore_mem>>, %arg14: memref<!tpu.dma_semaphore, #tpu.memory_space<semaphore_mem>>) attributes {dimension_semantics = [#tpu.dimension_semantics<core_parallel>, #tpu.dimension_semantics<subcore_parallel>], iteration_bounds = array<i64: 2, 16>, scalar_prefetch = 0 : i64, scratch_operands = 10 : i64, tpu.core_type = #tpu.core_type<sc_vector_subcore>, window_params = [{transform_indices = #map}, {transform_indices = #map1}, {transform_indices = #map2}]} {
    %mul3A = arith.constant 16 : i32
    %mul3A_0 = arith.muli %arg0, %mul3A : i32
    %add3A = arith.addi %mul3A_0, %arg1 : i32
    %dma_start3A = arith.constant 0 : i32
    %dma_start3A_1 = arith.constant 0 : i32
    %dma_start3A_2 = arith.constant 0 : i32
    %dma_start3A_3 = tpu.memref_slice %arg3[%add3A, %dma_start3A, %dma_start3A_1, %dma_start3A_2] : memref<32x128x2x80xi32, #tpu.memory_space<hbm>> -> memref<1x1x2x80xi32, #tpu.memory_space<hbm>>
    %dma_start3A_4 = tpu.memref_squeeze %dma_start3A_3 : memref<1x1x2x80xi32, #tpu.memory_space<hbm>> -> memref<2x80xi32, #tpu.memory_space<hbm>>
    %dma_start3A_5 = arith.constant 0 : i32
    %dma_start3A_6 = arith.constant 0 : i32
    %dma_start3A_7 = tpu.memref_slice %arg3[%add3A, %dma_start3A, %dma_start3A_5, %dma_start3A_6] : memref<32x128x2x80xi32, #tpu.memory_space<hbm>> -> memref<1x1x2x80xi32, #tpu.memory_space<hbm>>
    %dma_start3A_8 = tpu.memref_squeeze %dma_start3A_7 : memref<1x1x2x80xi32, #tpu.memory_space<hbm>> -> memref<2x80xi32, #tpu.memory_space<hbm>>
    tpu.enqueue_dma source(%dma_start3A_8 : memref<2x80xi32, #tpu.memory_space<hbm>>) target(%arg5 : memref<2x80xi32, #tpu.memory_space<vmem>>) target_semaphore(%arg11 : memref<!tpu.dma_semaphore, #tpu.memory_space<semaphore_mem>>)
    %dma_start3A_9 = arith.constant 1 : i32
    %dma_start3A_10 = arith.constant 0 : i32
    %dma_start3A_11 = arith.constant 0 : i32
    %dma_start3A_12 = tpu.memref_slice %arg3[%add3A, %dma_start3A_9, %dma_start3A_10, %dma_start3A_11] : memref<32x128x2x80xi32, #tpu.memory_space<hbm>> -> memref<1x1x2x80xi32, #tpu.memory_space<hbm>>
    %dma_start3A_13 = tpu.memref_squeeze %dma_start3A_12 : memref<1x1x2x80xi32, #tpu.memory_space<hbm>> -> memref<2x80xi32, #tpu.memory_space<hbm>>
    %dma_start3A_14 = arith.constant 0 : i32
    %dma_start3A_15 = arith.constant 0 : i32
    %dma_start3A_16 = tpu.memref_slice %arg3[%add3A, %dma_start3A_9, %dma_start3A_14, %dma_start3A_15] : memref<32x128x2x80xi32, #tpu.memory_space<hbm>> -> memref<1x1x2x80xi32, #tpu.memory_space<hbm>>
    %dma_start3A_17 = tpu.memref_squeeze %dma_start3A_16 : memref<1x1x2x80xi32, #tpu.memory_space<hbm>> -> memref<2x80xi32, #tpu.memory_space<hbm>>
    tpu.enqueue_dma source(%dma_start3A_17 : memref<2x80xi32, #tpu.memory_space<hbm>>) target(%arg6 : memref<2x80xi32, #tpu.memory_space<vmem>>) target_semaphore(%arg12 : memref<!tpu.dma_semaphore, #tpu.memory_space<semaphore_mem>>)
    %scan3A = arith.constant 0 : i32
    %scan3A_18 = arith.constant 80 : i32
    %scan3A_19 = arith.addi %scan3A, %scan3A_18 : i32
    %scan3A_20 = arith.constant 1 : i32
    scf.for %scan3A_92 = %scan3A to %scan3A_19 step %scan3A_20  : i32 {
      %mul3A_93 = arith.constant 1 : i32
      %mul3A_94 = arith.muli %scan3A_92, %mul3A_93 : i32
      %add3A_95 = arith.constant 0 : i32
      %add3A_96 = arith.addi %add3A_95, %mul3A_94 : i32
      %scan3A_97 = arith.constant 0 : i32
      %scan3A_98 = arith.constant 8 : i32
      %scan3A_99 = arith.addi %scan3A_97, %scan3A_98 : i32
      %scan3A_100 = arith.constant 1 : i32
      scf.for %scan3A_102 = %scan3A_97 to %scan3A_99 step %scan3A_100  : i32 {
        %mul3A_103 = arith.constant 1 : i32
        %mul3A_104 = arith.muli %scan3A_102, %mul3A_103 : i32
        %add3A_105 = arith.constant 0 : i32
        %add3A_106 = arith.addi %add3A_105, %mul3A_104 : i32
        %broadcast_in_dim3A = arith.constant 0.000000e+00 : f32
        %broadcast_in_dim3A_107 = vector.broadcast %broadcast_in_dim3A : f32 to vector<16xf32>
        %mul3A_108 = arith.constant 16 : i32
        %mul3A_109 = arith.muli %add3A_106, %mul3A_108 : i32
        %swap3A = arith.index_cast %add3A_96 : i32 to index
        %swap3A_110 = arith.index_cast %mul3A_109 : i32 to index
        %swap3A_111 = tpu.vector_load %arg9[%swap3A, %swap3A_110] {strides = array<i32>} : memref<80x128xf32, #tpu.memory_space<vmem>>, vector<1x16xf32>,
        %swap3A_112 = vector.shape_cast %swap3A_111 : vector<1x16xf32> to vector<16xf32>
        %swap3A_113 = vector.shape_cast %broadcast_in_dim3A_107 : vector<16xf32> to vector<1x16xf32>
        tpu.vector_store %arg9[%swap3A, %swap3A_110], %swap3A_113 {strides = array<i32>} : memref<80x128xf32, #tpu.memory_space<vmem>>, vector<1x16xf32>,
      }
      %scan3A_101 = arith.constant 8 : i32
    }
    %scan3A_21 = arith.constant 80 : i32
    %sub3A = arith.constant 125 : i32
    %sub3A_22 = arith.subi %sub3A, %arg1 : i32
    %sub3A_23 = arith.constant 16 : i32
    %sub3A_24 = arith.constant 1 : i32
    %sub3A_25 = arith.subi %sub3A_23, %sub3A_24 : i32
    %add3A_26 = arith.addi %sub3A_22, %sub3A_25 : i32
    %div3A = arith.constant 16 : i32
    %div3A_27 = arith.divsi %add3A_26, %div3A : i32
    %while3A = arith.constant 16 : i32
    %while3A_28 = arith.constant 0 : i32
    %while3A_29 = arith.subi %div3A_27, %while3A_28 : i32
    %while3A_30 = arith.addi %while3A_28, %while3A_29 : i32
    %while3A_31 = arith.constant 1 : i32
    %while3A_32 = arith.divsi %while3A_29, %while3A_31 : i32
    %while3A_33 = arith.muli %while3A_32, %while3A_31 : i32
    %while3A_34 = arith.addi %while3A_28, %while3A_33 : i32
    %while3A_35 = arith.constant 1 : i32
    scf.for %while3A_92 = %while3A_28 to %while3A_34 step %while3A_35  : i32 {
      %mul3A_93 = arith.muli %while3A_92, %while3A : i32
      %add3A_94 = arith.addi %arg1, %mul3A_93 : i32
      %mul3A_95 = arith.constant 80 : i32
      %mul3A_96 = arith.muli %add3A_94, %mul3A_95 : i32
      "tpu.region"() ({
        %run_scoped3A_97 = tpu.sem_alloc : memref<!tpu.dma_semaphore, #tpu.memory_space<semaphore_mem>>
        %dma_start3A_98 = arith.constant 0 : i32
        %dma_start3A_99 = tpu.memref_slice %arg10[%mul3A_96, %dma_start3A_98] : memref<10000x128xf32, #tpu.memory_space<vmem_shared>> -> memref<80x128xf32, #tpu.memory_space<vmem_shared>>
        %dma_start3A_100 = arith.constant 0 : i32
        %dma_start3A_101 = tpu.memref_slice %arg10[%mul3A_96, %dma_start3A_100] : memref<10000x128xf32, #tpu.memory_space<vmem_shared>> -> memref<80x128xf32, #tpu.memory_space<vmem_shared>>
        tpu.enqueue_dma source(%arg9 : memref<80x128xf32, #tpu.memory_space<vmem>>) target(%dma_start3A_101 : memref<80x128xf32, #tpu.memory_space<vmem_shared>>) target_semaphore(%run_scoped3A_97 : memref<!tpu.dma_semaphore, #tpu.memory_space<semaphore_mem>>)
        %dma_wait3A_102 = arith.constant 0 : i32
        %dma_wait3A_103 = tpu.memref_slice %arg10[%mul3A_96, %dma_wait3A_102] : memref<10000x128xf32, #tpu.memory_space<vmem_shared>> -> memref<80x128xf32, #tpu.memory_space<vmem_shared>>
        %dma_wait3A_104 = arith.constant 0 : i32
        %dma_wait3A_105 = tpu.memref_slice %arg10[%mul3A_96, %dma_wait3A_104] : memref<10000x128xf32, #tpu.memory_space<vmem_shared>> -> memref<80x128xf32, #tpu.memory_space<vmem_shared>>
        tpu.wait_dma2 semaphore(%run_scoped3A_97 : memref<!tpu.dma_semaphore, #tpu.memory_space<semaphore_mem>>) src(%arg9 : memref<80x128xf32, #tpu.memory_space<vmem>>) dst(%dma_wait3A_105 : memref<80x128xf32, #tpu.memory_space<vmem_shared>>)
        tpu.yield
      }) : () -> ()
    }
    %while3A_36 = arith.constant 1 : i32
    scf.for %while3A_92 = %while3A_34 to %while3A_30 step %while3A_36  : i32 {
      %mul3A_93 = arith.muli %while3A_92, %while3A : i32
      %add3A_94 = arith.addi %arg1, %mul3A_93 : i32
      %mul3A_95 = arith.constant 80 : i32
      %mul3A_96 = arith.muli %add3A_94, %mul3A_95 : i32
      "tpu.region"() ({
        %run_scoped3A_97 = tpu.sem_alloc : memref<!tpu.dma_semaphore, #tpu.memory_space<semaphore_mem>>
        %dma_start3A_98 = arith.constant 0 : i32
        %dma_start3A_99 = tpu.memref_slice %arg10[%mul3A_96, %dma_start3A_98] : memref<10000x128xf32, #tpu.memory_space<vmem_shared>> -> memref<80x128xf32, #tpu.memory_space<vmem_shared>>
        %dma_start3A_100 = arith.constant 0 : i32
        %dma_start3A_101 = tpu.memref_slice %arg10[%mul3A_96, %dma_start3A_100] : memref<10000x128xf32, #tpu.memory_space<vmem_shared>> -> memref<80x128xf32, #tpu.memory_space<vmem_shared>>
        tpu.enqueue_dma source(%arg9 : memref<80x128xf32, #tpu.memory_space<vmem>>) target(%dma_start3A_101 : memref<80x128xf32, #tpu.memory_space<vmem_shared>>) target_semaphore(%run_scoped3A_97 : memref<!tpu.dma_semaphore, #tpu.memory_space<semaphore_mem>>)
        %dma_wait3A_102 = arith.constant 0 : i32
        %dma_wait3A_103 = tpu.memref_slice %arg10[%mul3A_96, %dma_wait3A_102] : memref<10000x128xf32, #tpu.memory_space<vmem_shared>> -> memref<80x128xf32, #tpu.memory_space<vmem_shared>>
        %dma_wait3A_104 = arith.constant 0 : i32
        %dma_wait3A_105 = tpu.memref_slice %arg10[%mul3A_96, %dma_wait3A_104] : memref<10000x128xf32, #tpu.memory_space<vmem_shared>> -> memref<80x128xf32, #tpu.memory_space<vmem_shared>>
        tpu.wait_dma2 semaphore(%run_scoped3A_97 : memref<!tpu.dma_semaphore, #tpu.memory_space<semaphore_mem>>) src(%arg9 : memref<80x128xf32, #tpu.memory_space<vmem>>) dst(%dma_wait3A_105 : memref<80x128xf32, #tpu.memory_space<vmem_shared>>)
        tpu.yield
      }) : () -> ()
    }
    %dma_wait3A = arith.constant 0 : i32
    %dma_wait3A_37 = arith.constant 0 : i32
    %dma_wait3A_38 = arith.constant 0 : i32
    %dma_wait3A_39 = tpu.memref_slice %arg3[%add3A, %dma_wait3A, %dma_wait3A_37, %dma_wait3A_38] : memref<32x128x2x80xi32, #tpu.memory_space<hbm>> -> memref<1x1x2x80xi32, #tpu.memory_space<hbm>>
    %dma_wait3A_40 = tpu.memref_squeeze %dma_wait3A_39 : memref<1x1x2x80xi32, #tpu.memory_space<hbm>> -> memref<2x80xi32, #tpu.memory_space<hbm>>
    %dma_wait3A_41 = arith.constant 0 : i32
    %dma_wait3A_42 = arith.constant 0 : i32
    %dma_wait3A_43 = tpu.memref_slice %arg3[%add3A, %dma_wait3A, %dma_wait3A_41, %dma_wait3A_42] : memref<32x128x2x80xi32, #tpu.memory_space<hbm>> -> memref<1x1x2x80xi32, #tpu.memory_space<hbm>>
    %dma_wait3A_44 = tpu.memref_squeeze %dma_wait3A_43 : memref<1x1x2x80xi32, #tpu.memory_space<hbm>> -> memref<2x80xi32, #tpu.memory_space<hbm>>
    tpu.wait_dma2 semaphore(%arg11 : memref<!tpu.dma_semaphore, #tpu.memory_space<semaphore_mem>>) src(%dma_wait3A_44 : memref<2x80xi32, #tpu.memory_space<hbm>>) dst(%arg5 : memref<2x80xi32, #tpu.memory_space<vmem>>)
    %dma_start3A_45 = arith.constant 0 : i32
    %dma_start3A_46 = arith.constant 0 : i32
    %dma_start3A_47 = tpu.memref_slice %arg5[%dma_start3A_45, %dma_start3A_46] : memref<2x80xi32, #tpu.memory_space<vmem>> -> memref<1x80xi32, #tpu.memory_space<vmem>>
    %dma_start3A_48 = tpu.memref_squeeze %dma_start3A_47 : memref<1x80xi32, #tpu.memory_space<vmem>> -> memref<80xi32, #tpu.memory_space<vmem>>
    %dma_start3A_49 = arith.constant 0 : i32
    %dma_start3A_50 = arith.constant 0 : i32
    %dma_start3A_51 = tpu.memref_slice %arg2[%dma_start3A_49, %dma_start3A_50] : memref<10000x128xf32, #tpu.memory_space<hbm>> -> memref<10000x128xf32, #tpu.memory_space<hbm>>
    tpu.enqueue_indirect_dma source(%dma_start3A_51 : memref<10000x128xf32, #tpu.memory_space<hbm>>) target(%arg7 : memref<80x128xf32, #tpu.memory_space<vmem>>) offsets(%dma_start3A_48 : memref<80xi32, #tpu.memory_space<vmem>>) semaphore(%arg13 : memref<!tpu.dma_semaphore, #tpu.memory_space<semaphore_mem>>)
    %barrier3A = arith.constant 0 : index
    tpu.barrier barrier_id(%barrier3A)
    %scan3A_52 = arith.constant 0 : i32
    %scan3A_53 = arith.constant 62 : i32
    %scan3A_54 = arith.addi %scan3A_52, %scan3A_53 : i32
    %scan3A_55 = arith.constant 1 : i32
    scf.for %scan3A_92 = %scan3A_52 to %scan3A_54 step %scan3A_55  : i32 {
      %mul3A_93 = arith.constant 2 : i32
      %mul3A_94 = arith.muli %scan3A_92, %mul3A_93 : i32
      %add3A_95 = arith.constant 0 : i32
      %add3A_96 = arith.addi %add3A_95, %mul3A_94 : i32
      %add3A_97 = arith.constant 1 : i32
      %add3A_98 = arith.addi %add3A_96, %add3A_97 : i32
      %dma_wait3A_99 = arith.constant 0 : i32
      %dma_wait3A_100 = arith.constant 0 : i32
      %dma_wait3A_101 = tpu.memref_slice %arg3[%add3A, %add3A_98, %dma_wait3A_99, %dma_wait3A_100] : memref<32x128x2x80xi32, #tpu.memory_space<hbm>> -> memref<1x1x2x80xi32, #tpu.memory_space<hbm>>
      %dma_wait3A_102 = tpu.memref_squeeze %dma_wait3A_101 : memref<1x1x2x80xi32, #tpu.memory_space<hbm>> -> memref<2x80xi32, #tpu.memory_space<hbm>>
      %dma_wait3A_103 = arith.constant 0 : i32
      %dma_wait3A_104 = arith.constant 0 : i32
      %dma_wait3A_105 = tpu.memref_slice %arg3[%add3A, %add3A_98, %dma_wait3A_103, %dma_wait3A_104] : memref<32x128x2x80xi32, #tpu.memory_space<hbm>> -> memref<1x1x2x80xi32, #tpu.memory_space<hbm>>
      %dma_wait3A_106 = tpu.memref_squeeze %dma_wait3A_105 : memref<1x1x2x80xi32, #tpu.memory_space<hbm>> -> memref<2x80xi32, #tpu.memory_space<hbm>>
      tpu.wait_dma2 semaphore(%arg12 : memref<!tpu.dma_semaphore, #tpu.memory_space<semaphore_mem>>) src(%dma_wait3A_106 : memref<2x80xi32, #tpu.memory_space<hbm>>) dst(%arg6 : memref<2x80xi32, #tpu.memory_space<vmem>>)
      %dma_start3A_107 = arith.constant 0 : i32
      %dma_start3A_108 = arith.constant 0 : i32
      %dma_start3A_109 = tpu.memref_slice %arg6[%dma_start3A_107, %dma_start3A_108] : memref<2x80xi32, #tpu.memory_space<vmem>> -> memref<1x80xi32, #tpu.memory_space<vmem>>
      %dma_start3A_110 = tpu.memref_squeeze %dma_start3A_109 : memref<1x80xi32, #tpu.memory_space<vmem>> -> memref<80xi32, #tpu.memory_space<vmem>>
      %dma_start3A_111 = arith.constant 0 : i32
      %dma_start3A_112 = arith.constant 0 : i32
      %dma_start3A_113 = tpu.memref_slice %arg2[%dma_start3A_111, %dma_start3A_112] : memref<10000x128xf32, #tpu.memory_space<hbm>> -> memref<10000x128xf32, #tpu.memory_space<hbm>>
      tpu.enqueue_indirect_dma source(%dma_start3A_113 : memref<10000x128xf32, #tpu.memory_space<hbm>>) target(%arg8 : memref<80x128xf32, #tpu.memory_space<vmem>>) offsets(%dma_start3A_110 : memref<80xi32, #tpu.memory_space<vmem>>) semaphore(%arg14 : memref<!tpu.dma_semaphore, #tpu.memory_space<semaphore_mem>>)
      %dma_wait3A_114 = arith.constant 0 : i32
      %dma_wait3A_115 = arith.constant 0 : i32
      %dma_wait3A_116 = tpu.memref_slice %arg5[%dma_wait3A_114, %dma_wait3A_115] : memref<2x80xi32, #tpu.memory_space<vmem>> -> memref<1x80xi32, #tpu.memory_space<vmem>>
      %dma_wait3A_117 = tpu.memref_squeeze %dma_wait3A_116 : memref<1x80xi32, #tpu.memory_space<vmem>> -> memref<80xi32, #tpu.memory_space<vmem>>
      %dma_wait3A_118 = arith.constant 0 : i32
      %dma_wait3A_119 = arith.constant 0 : i32
      %dma_wait3A_120 = tpu.memref_slice %arg2[%dma_wait3A_118, %dma_wait3A_119] : memref<10000x128xf32, #tpu.memory_space<hbm>> -> memref<10000x128xf32, #tpu.memory_space<hbm>>
      tpu.wait_indirect_dma semaphore(%arg13 : memref<!tpu.dma_semaphore, #tpu.memory_space<semaphore_mem>>) src(%dma_wait3A_120 : memref<10000x128xf32, #tpu.memory_space<hbm>>) dst(%arg7 : memref<80x128xf32, #tpu.memory_space<vmem>>)
      %run_scoped3A_121 = arith.constant 1 : i32
      "tpu.region"() ({
        %run_scoped3A_167 = tpu.sem_alloc : memref<!tpu.dma_semaphore, #tpu.memory_space<semaphore_mem>>
        %dma_start3A_168 = arith.constant 0 : i32
        %dma_start3A_169 = tpu.memref_slice %arg5[%run_scoped3A_121, %dma_start3A_168] : memref<2x80xi32, #tpu.memory_space<vmem>> -> memref<1x80xi32, #tpu.memory_space<vmem>>
        %dma_start3A_170 = tpu.memref_squeeze %dma_start3A_169 : memref<1x80xi32, #tpu.memory_space<vmem>> -> memref<80xi32, #tpu.memory_space<vmem>>
        %dma_start3A_171 = arith.constant 0 : i32
        %dma_start3A_172 = arith.constant 0 : i32
        %dma_start3A_173 = tpu.memref_slice %arg10[%dma_start3A_171, %dma_start3A_172] : memref<10000x128xf32, #tpu.memory_space<vmem_shared>> -> memref<10000x128xf32, #tpu.memory_space<vmem_shared>>
        tpu.enqueue_indirect_dma source(%arg7 : memref<80x128xf32, #tpu.memory_space<vmem>>) target(%dma_start3A_173 : memref<10000x128xf32, #tpu.memory_space<vmem_shared>>) offsets(%dma_start3A_170 : memref<80xi32, #tpu.memory_space<vmem>>) semaphore(%run_scoped3A_167 : memref<!tpu.dma_semaphore, #tpu.memory_space<semaphore_mem>>) {add = true}
        %dma_wait3A_174 = arith.constant 0 : i32
        %dma_wait3A_175 = tpu.memref_slice %arg5[%run_scoped3A_121, %dma_wait3A_174] : memref<2x80xi32, #tpu.memory_space<vmem>> -> memref<1x80xi32, #tpu.memory_space<vmem>>
        %dma_wait3A_176 = tpu.memref_squeeze %dma_wait3A_175 : memref<1x80xi32, #tpu.memory_space<vmem>> -> memref<80xi32, #tpu.memory_space<vmem>>
        %dma_wait3A_177 = arith.constant 0 : i32
        %dma_wait3A_178 = arith.constant 0 : i32
        %dma_wait3A_179 = tpu.memref_slice %arg10[%dma_wait3A_177, %dma_wait3A_178] : memref<10000x128xf32, #tpu.memory_space<vmem_shared>> -> memref<10000x128xf32, #tpu.memory_space<vmem_shared>>
        tpu.wait_indirect_dma semaphore(%run_scoped3A_167 : memref<!tpu.dma_semaphore, #tpu.memory_space<semaphore_mem>>) src(%arg7 : memref<80x128xf32, #tpu.memory_space<vmem>>) dst(%dma_wait3A_179 : memref<10000x128xf32, #tpu.memory_space<vmem_shared>>)
        tpu.yield
      }) : () -> ()
      %add3A_122 = arith.constant 2 : i32
      %add3A_123 = arith.addi %add3A_96, %add3A_122 : i32
      %dma_start3A_124 = arith.constant 0 : i32
      %dma_start3A_125 = arith.constant 0 : i32
      %dma_start3A_126 = tpu.memref_slice %arg3[%add3A, %add3A_123, %dma_start3A_124, %dma_start3A_125] : memref<32x128x2x80xi32, #tpu.memory_space<hbm>> -> memref<1x1x2x80xi32, #tpu.memory_space<hbm>>
      %dma_start3A_127 = tpu.memref_squeeze %dma_start3A_126 : memref<1x1x2x80xi32, #tpu.memory_space<hbm>> -> memref<2x80xi32, #tpu.memory_space<hbm>>
      %dma_start3A_128 = arith.constant 0 : i32
      %dma_start3A_129 = arith.constant 0 : i32
      %dma_start3A_130 = tpu.memref_slice %arg3[%add3A, %add3A_123, %dma_start3A_128, %dma_start3A_129] : memref<32x128x2x80xi32, #tpu.memory_space<hbm>> -> memref<1x1x2x80xi32, #tpu.memory_space<hbm>>
      %dma_start3A_131 = tpu.memref_squeeze %dma_start3A_130 : memref<1x1x2x80xi32, #tpu.memory_space<hbm>> -> memref<2x80xi32, #tpu.memory_space<hbm>>
      tpu.enqueue_dma source(%dma_start3A_131 : memref<2x80xi32, #tpu.memory_space<hbm>>) target(%arg5 : memref<2x80xi32, #tpu.memory_space<vmem>>) target_semaphore(%arg11 : memref<!tpu.dma_semaphore, #tpu.memory_space<semaphore_mem>>)
      %dma_wait3A_132 = arith.constant 0 : i32
      %dma_wait3A_133 = arith.constant 0 : i32
      %dma_wait3A_134 = tpu.memref_slice %arg6[%dma_wait3A_132, %dma_wait3A_133] : memref<2x80xi32, #tpu.memory_space<vmem>> -> memref<1x80xi32, #tpu.memory_space<vmem>>
      %dma_wait3A_135 = tpu.memref_squeeze %dma_wait3A_134 : memref<1x80xi32, #tpu.memory_space<vmem>> -> memref<80xi32, #tpu.memory_space<vmem>>
      %dma_wait3A_136 = arith.constant 0 : i32
      %dma_wait3A_137 = arith.constant 0 : i32
      %dma_wait3A_138 = tpu.memref_slice %arg2[%dma_wait3A_136, %dma_wait3A_137] : memref<10000x128xf32, #tpu.memory_space<hbm>> -> memref<10000x128xf32, #tpu.memory_space<hbm>>
      tpu.wait_indirect_dma semaphore(%arg14 : memref<!tpu.dma_semaphore, #tpu.memory_space<semaphore_mem>>) src(%dma_wait3A_138 : memref<10000x128xf32, #tpu.memory_space<hbm>>) dst(%arg8 : memref<80x128xf32, #tpu.memory_space<vmem>>)
      %run_scoped3A_139 = arith.constant 1 : i32
      "tpu.region"() ({
        %run_scoped3A_167 = tpu.sem_alloc : memref<!tpu.dma_semaphore, #tpu.memory_space<semaphore_mem>>
        %dma_start3A_168 = arith.constant 0 : i32
        %dma_start3A_169 = tpu.memref_slice %arg6[%run_scoped3A_139, %dma_start3A_168] : memref<2x80xi32, #tpu.memory_space<vmem>> -> memref<1x80xi32, #tpu.memory_space<vmem>>
        %dma_start3A_170 = tpu.memref_squeeze %dma_start3A_169 : memref<1x80xi32, #tpu.memory_space<vmem>> -> memref<80xi32, #tpu.memory_space<vmem>>
        %dma_start3A_171 = arith.constant 0 : i32
        %dma_start3A_172 = arith.constant 0 : i32
        %dma_start3A_173 = tpu.memref_slice %arg10[%dma_start3A_171, %dma_start3A_172] : memref<10000x128xf32, #tpu.memory_space<vmem_shared>> -> memref<10000x128xf32, #tpu.memory_space<vmem_shared>>
        tpu.enqueue_indirect_dma source(%arg8 : memref<80x128xf32, #tpu.memory_space<vmem>>) target(%dma_start3A_173 : memref<10000x128xf32, #tpu.memory_space<vmem_shared>>) offsets(%dma_start3A_170 : memref<80xi32, #tpu.memory_space<vmem>>) semaphore(%run_scoped3A_167 : memref<!tpu.dma_semaphore, #tpu.memory_space<semaphore_mem>>) {add = true}
        %dma_wait3A_174 = arith.constant 0 : i32
        %dma_wait3A_175 = tpu.memref_slice %arg6[%run_scoped3A_139, %dma_wait3A_174] : memref<2x80xi32, #tpu.memory_space<vmem>> -> memref<1x80xi32, #tpu.memory_space<vmem>>
        %dma_wait3A_176 = tpu.memref_squeeze %dma_wait3A_175 : memref<1x80xi32, #tpu.memory_space<vmem>> -> memref<80xi32, #tpu.memory_space<vmem>>
        %dma_wait3A_177 = arith.constant 0 : i32
        %dma_wait3A_178 = arith.constant 0 : i32
        %dma_wait3A_179 = tpu.memref_slice %arg10[%dma_wait3A_177, %dma_wait3A_178] : memref<10000x128xf32, #tpu.memory_space<vmem_shared>> -> memref<10000x128xf32, #tpu.memory_space<vmem_shared>>
        tpu.wait_indirect_dma semaphore(%run_scoped3A_167 : memref<!tpu.dma_semaphore, #tpu.memory_space<semaphore_mem>>) src(%arg8 : memref<80x128xf32, #tpu.memory_space<vmem>>) dst(%dma_wait3A_179 : memref<10000x128xf32, #tpu.memory_space<vmem_shared>>)
        tpu.yield
      }) : () -> ()
      %add3A_140 = arith.constant 3 : i32
      %add3A_141 = arith.addi %add3A_96, %add3A_140 : i32
      %dma_start3A_142 = arith.constant 0 : i32
      %dma_start3A_143 = arith.constant 0 : i32
      %dma_start3A_144 = tpu.memref_slice %arg3[%add3A, %add3A_141, %dma_start3A_142, %dma_start3A_143] : memref<32x128x2x80xi32, #tpu.memory_space<hbm>> -> memref<1x1x2x80xi32, #tpu.memory_space<hbm>>
      %dma_start3A_145 = tpu.memref_squeeze %dma_start3A_144 : memref<1x1x2x80xi32, #tpu.memory_space<hbm>> -> memref<2x80xi32, #tpu.memory_space<hbm>>
      %dma_start3A_146 = arith.constant 0 : i32
      %dma_start3A_147 = arith.constant 0 : i32
      %dma_start3A_148 = tpu.memref_slice %arg3[%add3A, %add3A_141, %dma_start3A_146, %dma_start3A_147] : memref<32x128x2x80xi32, #tpu.memory_space<hbm>> -> memref<1x1x2x80xi32, #tpu.memory_space<hbm>>
      %dma_start3A_149 = tpu.memref_squeeze %dma_start3A_148 : memref<1x1x2x80xi32, #tpu.memory_space<hbm>> -> memref<2x80xi32, #tpu.memory_space<hbm>>
      tpu.enqueue_dma source(%dma_start3A_149 : memref<2x80xi32, #tpu.memory_space<hbm>>) target(%arg6 : memref<2x80xi32, #tpu.memory_space<vmem>>) target_semaphore(%arg12 : memref<!tpu.dma_semaphore, #tpu.memory_space<semaphore_mem>>)
      %add3A_150 = arith.constant 2 : i32
      %add3A_151 = arith.addi %add3A_96, %add3A_150 : i32
      %dma_wait3A_152 = arith.constant 0 : i32
      %dma_wait3A_153 = arith.constant 0 : i32
      %dma_wait3A_154 = tpu.memref_slice %arg3[%add3A, %add3A_151, %dma_wait3A_152, %dma_wait3A_153] : memref<32x128x2x80xi32, #tpu.memory_space<hbm>> -> memref<1x1x2x80xi32, #tpu.memory_space<hbm>>
      %dma_wait3A_155 = tpu.memref_squeeze %dma_wait3A_154 : memref<1x1x2x80xi32, #tpu.memory_space<hbm>> -> memref<2x80xi32, #tpu.memory_space<hbm>>
      %dma_wait3A_156 = arith.constant 0 : i32
      %dma_wait3A_157 = arith.constant 0 : i32
      %dma_wait3A_158 = tpu.memref_slice %arg3[%add3A, %add3A_151, %dma_wait3A_156, %dma_wait3A_157] : memref<32x128x2x80xi32, #tpu.memory_space<hbm>> -> memref<1x1x2x80xi32, #tpu.memory_space<hbm>>
      %dma_wait3A_159 = tpu.memref_squeeze %dma_wait3A_158 : memref<1x1x2x80xi32, #tpu.memory_space<hbm>> -> memref<2x80xi32, #tpu.memory_space<hbm>>
      tpu.wait_dma2 semaphore(%arg11 : memref<!tpu.dma_semaphore, #tpu.memory_space<semaphore_mem>>) src(%dma_wait3A_159 : memref<2x80xi32, #tpu.memory_space<hbm>>) dst(%arg5 : memref<2x80xi32, #tpu.memory_space<vmem>>)
      %dma_start3A_160 = arith.constant 0 : i32
      %dma_start3A_161 = arith.constant 0 : i32
      %dma_start3A_162 = tpu.memref_slice %arg5[%dma_start3A_160, %dma_start3A_161] : memref<2x80xi32, #tpu.memory_space<vmem>> -> memref<1x80xi32, #tpu.memory_space<vmem>>
      %dma_start3A_163 = tpu.memref_squeeze %dma_start3A_162 : memref<1x80xi32, #tpu.memory_space<vmem>> -> memref<80xi32, #tpu.memory_space<vmem>>
      %dma_start3A_164 = arith.constant 0 : i32
      %dma_start3A_165 = arith.constant 0 : i32
      %dma_start3A_166 = tpu.memref_slice %arg2[%dma_start3A_164, %dma_start3A_165] : memref<10000x128xf32, #tpu.memory_space<hbm>> -> memref<10000x128xf32, #tpu.memory_space<hbm>>
      tpu.enqueue_indirect_dma source(%dma_start3A_166 : memref<10000x128xf32, #tpu.memory_space<hbm>>) target(%arg7 : memref<80x128xf32, #tpu.memory_space<vmem>>) offsets(%dma_start3A_163 : memref<80xi32, #tpu.memory_space<vmem>>) semaphore(%arg13 : memref<!tpu.dma_semaphore, #tpu.memory_space<semaphore_mem>>)
    }
    %scan3A_56 = arith.constant 62 : i32
    %dma_wait3A_57 = arith.constant 0 : i32
    %dma_wait3A_58 = arith.constant 0 : i32
    %dma_wait3A_59 = tpu.memref_slice %arg5[%dma_wait3A_57, %dma_wait3A_58] : memref<2x80xi32, #tpu.memory_space<vmem>> -> memref<1x80xi32, #tpu.memory_space<vmem>>
    %dma_wait3A_60 = tpu.memref_squeeze %dma_wait3A_59 : memref<1x80xi32, #tpu.memory_space<vmem>> -> memref<80xi32, #tpu.memory_space<vmem>>
    %dma_wait3A_61 = arith.constant 0 : i32
    %dma_wait3A_62 = arith.constant 0 : i32
    %dma_wait3A_63 = tpu.memref_slice %arg2[%dma_wait3A_61, %dma_wait3A_62] : memref<10000x128xf32, #tpu.memory_space<hbm>> -> memref<10000x128xf32, #tpu.memory_space<hbm>>
    tpu.wait_indirect_dma semaphore(%arg13 : memref<!tpu.dma_semaphore, #tpu.memory_space<semaphore_mem>>) src(%dma_wait3A_63 : memref<10000x128xf32, #tpu.memory_space<hbm>>) dst(%arg7 : memref<80x128xf32, #tpu.memory_space<vmem>>)
    %run_scoped3A = arith.constant 1 : i32
    "tpu.region"() ({
      %run_scoped3A_92 = tpu.sem_alloc : memref<!tpu.dma_semaphore, #tpu.memory_space<semaphore_mem>>
      %dma_start3A_93 = arith.constant 0 : i32
      %dma_start3A_94 = tpu.memref_slice %arg5[%run_scoped3A, %dma_start3A_93] : memref<2x80xi32, #tpu.memory_space<vmem>> -> memref<1x80xi32, #tpu.memory_space<vmem>>
      %dma_start3A_95 = tpu.memref_squeeze %dma_start3A_94 : memref<1x80xi32, #tpu.memory_space<vmem>> -> memref<80xi32, #tpu.memory_space<vmem>>
      %dma_start3A_96 = arith.constant 0 : i32
      %dma_start3A_97 = arith.constant 0 : i32
      %dma_start3A_98 = tpu.memref_slice %arg10[%dma_start3A_96, %dma_start3A_97] : memref<10000x128xf32, #tpu.memory_space<vmem_shared>> -> memref<10000x128xf32, #tpu.memory_space<vmem_shared>>
      tpu.enqueue_indirect_dma source(%arg7 : memref<80x128xf32, #tpu.memory_space<vmem>>) target(%dma_start3A_98 : memref<10000x128xf32, #tpu.memory_space<vmem_shared>>) offsets(%dma_start3A_95 : memref<80xi32, #tpu.memory_space<vmem>>) semaphore(%run_scoped3A_92 : memref<!tpu.dma_semaphore, #tpu.memory_space<semaphore_mem>>) {add = true}
      %dma_wait3A_99 = arith.constant 0 : i32
      %dma_wait3A_100 = tpu.memref_slice %arg5[%run_scoped3A, %dma_wait3A_99] : memref<2x80xi32, #tpu.memory_space<vmem>> -> memref<1x80xi32, #tpu.memory_space<vmem>>
      %dma_wait3A_101 = tpu.memref_squeeze %dma_wait3A_100 : memref<1x80xi32, #tpu.memory_space<vmem>> -> memref<80xi32, #tpu.memory_space<vmem>>
      %dma_wait3A_102 = arith.constant 0 : i32
      %dma_wait3A_103 = arith.constant 0 : i32
      %dma_wait3A_104 = tpu.memref_slice %arg10[%dma_wait3A_102, %dma_wait3A_103] : memref<10000x128xf32, #tpu.memory_space<vmem_shared>> -> memref<10000x128xf32, #tpu.memory_space<vmem_shared>>
      tpu.wait_indirect_dma semaphore(%run_scoped3A_92 : memref<!tpu.dma_semaphore, #tpu.memory_space<semaphore_mem>>) src(%arg7 : memref<80x128xf32, #tpu.memory_space<vmem>>) dst(%dma_wait3A_104 : memref<10000x128xf32, #tpu.memory_space<vmem_shared>>)
      tpu.yield
    }) : () -> ()
    %dma_wait3A_64 = arith.constant 0 : i32
    %dma_wait3A_65 = arith.constant 0 : i32
    %dma_wait3A_66 = arith.constant 0 : i32
    %dma_wait3A_67 = tpu.memref_slice %arg3[%add3A, %dma_wait3A_64, %dma_wait3A_65, %dma_wait3A_66] : memref<32x128x2x80xi32, #tpu.memory_space<hbm>> -> memref<1x1x2x80xi32, #tpu.memory_space<hbm>>
    %dma_wait3A_68 = tpu.memref_squeeze %dma_wait3A_67 : memref<1x1x2x80xi32, #tpu.memory_space<hbm>> -> memref<2x80xi32, #tpu.memory_space<hbm>>
    %dma_wait3A_69 = arith.constant 0 : i32
    %dma_wait3A_70 = arith.constant 0 : i32
    %dma_wait3A_71 = tpu.memref_slice %arg3[%add3A, %dma_wait3A_64, %dma_wait3A_69, %dma_wait3A_70] : memref<32x128x2x80xi32, #tpu.memory_space<hbm>> -> memref<1x1x2x80xi32, #tpu.memory_space<hbm>>
    %dma_wait3A_72 = tpu.memref_squeeze %dma_wait3A_71 : memref<1x1x2x80xi32, #tpu.memory_space<hbm>> -> memref<2x80xi32, #tpu.memory_space<hbm>>
    tpu.wait_dma2 semaphore(%arg12 : memref<!tpu.dma_semaphore, #tpu.memory_space<semaphore_mem>>) src(%dma_wait3A_72 : memref<2x80xi32, #tpu.memory_space<hbm>>) dst(%arg6 : memref<2x80xi32, #tpu.memory_space<vmem>>)
    %barrier3A_73 = arith.constant 0 : index
    tpu.barrier barrier_id(%barrier3A_73)
    %sub3A_74 = arith.constant 125 : i32
    %sub3A_75 = arith.subi %sub3A_74, %arg1 : i32
    %sub3A_76 = arith.constant 16 : i32
    %sub3A_77 = arith.constant 1 : i32
    %sub3A_78 = arith.subi %sub3A_76, %sub3A_77 : i32
    %add3A_79 = arith.addi %sub3A_75, %sub3A_78 : i32
    %div3A_80 = arith.constant 16 : i32
    %div3A_81 = arith.divsi %add3A_79, %div3A_80 : i32
    %while3A_82 = arith.constant 16 : i32
    %while3A_83 = arith.constant 0 : i32
    %while3A_84 = arith.subi %div3A_81, %while3A_83 : i32
    %while3A_85 = arith.addi %while3A_83, %while3A_84 : i32
    %while3A_86 = arith.constant 1 : i32
    %while3A_87 = arith.divsi %while3A_84, %while3A_86 : i32
    %while3A_88 = arith.muli %while3A_87, %while3A_86 : i32
    %while3A_89 = arith.addi %while3A_83, %while3A_88 : i32
    %while3A_90 = arith.constant 1 : i32
    scf.for %while3A_92 = %while3A_83 to %while3A_89 step %while3A_90  : i32 {
      %mul3A_93 = arith.muli %while3A_92, %while3A_82 : i32
      %add3A_94 = arith.addi %arg1, %mul3A_93 : i32
      %mul3A_95 = arith.constant 80 : i32
      %mul3A_96 = arith.muli %add3A_94, %mul3A_95 : i32
      "tpu.region"() ({
        %run_scoped3A_97 = tpu.sem_alloc : memref<!tpu.dma_semaphore, #tpu.memory_space<semaphore_mem>>
        %dma_start3A_98 = arith.constant 0 : i32
        %dma_start3A_99 = tpu.memref_slice %arg4[%arg0, %mul3A_96, %dma_start3A_98] : memref<2x10000x128xf32, #tpu.memory_space<hbm>> -> memref<1x80x128xf32, #tpu.memory_space<hbm>>
        %dma_start3A_100 = tpu.memref_squeeze %dma_start3A_99 : memref<1x80x128xf32, #tpu.memory_space<hbm>> -> memref<80x128xf32, #tpu.memory_space<hbm>>
        %dma_start3A_101 = arith.constant 0 : i32
        %dma_start3A_102 = tpu.memref_slice %arg10[%mul3A_96, %dma_start3A_101] : memref<10000x128xf32, #tpu.memory_space<vmem_shared>> -> memref<80x128xf32, #tpu.memory_space<vmem_shared>>
        tpu.enqueue_dma source(%dma_start3A_102 : memref<80x128xf32, #tpu.memory_space<vmem_shared>>) target(%dma_start3A_100 : memref<80x128xf32, #tpu.memory_space<hbm>>) target_semaphore(%run_scoped3A_97 : memref<!tpu.dma_semaphore, #tpu.memory_space<semaphore_mem>>)
        %dma_wait3A_103 = arith.constant 0 : i32
        %dma_wait3A_104 = tpu.memref_slice %arg4[%arg0, %mul3A_96, %dma_wait3A_103] : memref<2x10000x128xf32, #tpu.memory_space<hbm>> -> memref<1x80x128xf32, #tpu.memory_space<hbm>>
        %dma_wait3A_105 = tpu.memref_squeeze %dma_wait3A_104 : memref<1x80x128xf32, #tpu.memory_space<hbm>> -> memref<80x128xf32, #tpu.memory_space<hbm>>
        %dma_wait3A_106 = arith.constant 0 : i32
        %dma_wait3A_107 = tpu.memref_slice %arg10[%mul3A_96, %dma_wait3A_106] : memref<10000x128xf32, #tpu.memory_space<vmem_shared>> -> memref<80x128xf32, #tpu.memory_space<vmem_shared>>
        tpu.wait_dma2 semaphore(%run_scoped3A_97 : memref<!tpu.dma_semaphore, #tpu.memory_space<semaphore_mem>>) src(%dma_wait3A_107 : memref<80x128xf32, #tpu.memory_space<vmem_shared>>) dst(%dma_wait3A_105 : memref<80x128xf32, #tpu.memory_space<hbm>>)
        tpu.yield
      }) : () -> ()
    }
    %while3A_91 = arith.constant 1 : i32
    scf.for %while3A_92 = %while3A_89 to %while3A_85 step %while3A_91  : i32 {
      %mul3A_93 = arith.muli %while3A_92, %while3A_82 : i32
      %add3A_94 = arith.addi %arg1, %mul3A_93 : i32
      %mul3A_95 = arith.constant 80 : i32
      %mul3A_96 = arith.muli %add3A_94, %mul3A_95 : i32
      "tpu.region"() ({
        %run_scoped3A_97 = tpu.sem_alloc : memref<!tpu.dma_semaphore, #tpu.memory_space<semaphore_mem>>
        %dma_start3A_98 = arith.constant 0 : i32
        %dma_start3A_99 = tpu.memref_slice %arg4[%arg0, %mul3A_96, %dma_start3A_98] : memref<2x10000x128xf32, #tpu.memory_space<hbm>> -> memref<1x80x128xf32, #tpu.memory_space<hbm>>
        %dma_start3A_100 = tpu.memref_squeeze %dma_start3A_99 : memref<1x80x128xf32, #tpu.memory_space<hbm>> -> memref<80x128xf32, #tpu.memory_space<hbm>>
        %dma_start3A_101 = arith.constant 0 : i32
        %dma_start3A_102 = tpu.memref_slice %arg10[%mul3A_96, %dma_start3A_101] : memref<10000x128xf32, #tpu.memory_space<vmem_shared>> -> memref<80x128xf32, #tpu.memory_space<vmem_shared>>
        tpu.enqueue_dma source(%dma_start3A_102 : memref<80x128xf32, #tpu.memory_space<vmem_shared>>) target(%dma_start3A_100 : memref<80x128xf32, #tpu.memory_space<hbm>>) target_semaphore(%run_scoped3A_97 : memref<!tpu.dma_semaphore, #tpu.memory_space<semaphore_mem>>)
        %dma_wait3A_103 = arith.constant 0 : i32
        %dma_wait3A_104 = tpu.memref_slice %arg4[%arg0, %mul3A_96, %dma_wait3A_103] : memref<2x10000x128xf32, #tpu.memory_space<hbm>> -> memref<1x80x128xf32, #tpu.memory_space<hbm>>
        %dma_wait3A_105 = tpu.memref_squeeze %dma_wait3A_104 : memref<1x80x128xf32, #tpu.memory_space<hbm>> -> memref<80x128xf32, #tpu.memory_space<hbm>>
        %dma_wait3A_106 = arith.constant 0 : i32
        %dma_wait3A_107 = tpu.memref_slice %arg10[%mul3A_96, %dma_wait3A_106] : memref<10000x128xf32, #tpu.memory_space<vmem_shared>> -> memref<80x128xf32, #tpu.memory_space<vmem_shared>>
        tpu.wait_dma2 semaphore(%run_scoped3A_97 : memref<!tpu.dma_semaphore, #tpu.memory_space<semaphore_mem>>) src(%dma_wait3A_107 : memref<80x128xf32, #tpu.memory_space<vmem_shared>>) dst(%dma_wait3A_105 : memref<80x128xf32, #tpu.memory_space<hbm>>)
        tpu.yield
      }) : () -> ()
    }
    return
  }
}

module attributes {stable_mosaic.version = 14 : i64} {
  func.func @_tc_layer_body(%arg0: memref<1x1xf32, #tpu.memory_space<vmem>>, %arg1: memref<10000x128xf32, #tpu.memory_space<vmem>>, %arg2: memref<2x10000x128xf32, #tpu.memory_space<vmem>>, %arg3: memref<128x128xf32, #tpu.memory_space<vmem>>, %arg4: memref<1x128xf32, #tpu.memory_space<vmem>>, %arg5: memref<1x128xf32, #tpu.memory_space<vmem>>, %arg6: memref<1x128xf32, #tpu.memory_space<vmem>>, %arg7: memref<128x128xf32, #tpu.memory_space<vmem>>, %arg8: memref<1x128xf32, #tpu.memory_space<vmem>>, %arg9: memref<10000x128xf32, #tpu.memory_space<vmem>>) attributes {dimension_semantics = [], scalar_prefetch = 0 : i64, scratch_operands = 0 : i64, tpu.core_type = #tpu.core_type<tc>} {
    %get3A = arith.constant 0 : index
    %get3A_0 = arith.constant 0 : index
    %get3A_1 = vector.load %arg1[%get3A, %get3A_0] : memref<10000x128xf32, #tpu.memory_space<vmem>>, vector<10000x128xf32>
    %get3A_2 = arith.constant 0 : index
    %get3A_3 = arith.constant 0 : index
    %get3A_4 = vector.load %arg0[%get3A_2, %get3A_3] : memref<1x1xf32, #tpu.memory_space<vmem>>, vector<1x1xf32>
    %mul3A = vector.broadcast %get3A_4 : vector<1x1xf32> to vector<10000x128xf32>
    %mul3A_5 = arith.mulf %mul3A, %get3A_1 : vector<10000x128xf32>
    %add3A = arith.addf %get3A_1, %mul3A_5 : vector<10000x128xf32>
    %get3A_6 = arith.constant 0 : index
    %get3A_7 = arith.constant 0 : index
    %get3A_8 = arith.constant 0 : index
    %get3A_9 = vector.load %arg2[%get3A_6, %get3A_7, %get3A_8] : memref<2x10000x128xf32, #tpu.memory_space<vmem>>, vector<1x10000x128xf32>
    %get3A_10 = vector.shape_cast %get3A_9 : vector<1x10000x128xf32> to vector<10000x128xf32>
    %add3A_11 = arith.addf %add3A, %get3A_10 : vector<10000x128xf32>
    %get3A_12 = arith.constant 1 : index
    %get3A_13 = arith.constant 0 : index
    %get3A_14 = arith.constant 0 : index
    %get3A_15 = vector.load %arg2[%get3A_12, %get3A_13, %get3A_14] : memref<2x10000x128xf32, #tpu.memory_space<vmem>>, vector<1x10000x128xf32>
    %get3A_16 = vector.shape_cast %get3A_15 : vector<1x10000x128xf32> to vector<10000x128xf32>
    %add3A_17 = arith.addf %add3A_11, %get3A_16 : vector<10000x128xf32>
    %get3A_18 = arith.constant 0 : index
    %get3A_19 = arith.constant 0 : index
    %get3A_20 = vector.load %arg3[%get3A_18, %get3A_19] : memref<128x128xf32, #tpu.memory_space<vmem>>, vector<128x128xf32>
    %dot_general3A = arith.constant dense<0.000000e+00> : vector<10000x128xf32>
    %dot_general3A_21 = tpu.matmul %add3A_17, %get3A_20, %dot_general3A {dimension_numbers = #tpu.dot_dimension_numbers<[1], [0], [0], [1], [0, 0, 1, 1], [], []>, transpose_lhs_hint = false} : vector<10000x128xf32>, vector<128x128xf32>, vector<10000x128xf32> -> vector<10000x128xf32>
    %get3A_22 = arith.constant 0 : index
    %get3A_23 = arith.constant 0 : index
    %get3A_24 = vector.load %arg4[%get3A_22, %get3A_23] : memref<1x128xf32, #tpu.memory_space<vmem>>, vector<1x128xf32>
    %add3A_25 = vector.broadcast %get3A_24 : vector<1x128xf32> to vector<10000x128xf32>
    %add3A_26 = arith.addf %dot_general3A_21, %add3A_25 : vector<10000x128xf32>
    %reduce_sum3A = arith.constant dense<0.000000e+00> : vector<128xf32>
    %reduce_sum3A_27 = vector.multi_reduction <add>, %add3A_26, %reduce_sum3A [0] : vector<10000x128xf32> to vector<128xf32>
    %broadcast_in_dim3A = vector.shape_cast %reduce_sum3A_27 : vector<128xf32> to vector<1x128xf32>
    %div3A = arith.constant 1.000000e+04 : f32
    %div3A_28 = vector.broadcast %div3A : f32 to vector<1x128xf32>
    %div3A_29 = arith.divf %broadcast_in_dim3A, %div3A_28 : vector<1x128xf32>
    %sub3A = vector.broadcast %div3A_29 : vector<1x128xf32> to vector<10000x128xf32>
    %sub3A_30 = arith.subf %add3A_26, %sub3A : vector<10000x128xf32>
    %integer_pow3A = arith.mulf %sub3A_30, %sub3A_30 : vector<10000x128xf32>
    %reduce_sum3A_31 = arith.constant dense<0.000000e+00> : vector<128xf32>
    %reduce_sum3A_32 = vector.multi_reduction <add>, %integer_pow3A, %reduce_sum3A_31 [0] : vector<10000x128xf32> to vector<128xf32>
    %broadcast_in_dim3A_33 = vector.shape_cast %reduce_sum3A_32 : vector<128xf32> to vector<1x128xf32>
    %div3A_34 = arith.constant 1.000000e+04 : f32
    %div3A_35 = vector.broadcast %div3A_34 : f32 to vector<1x128xf32>
    %div3A_36 = arith.divf %broadcast_in_dim3A_33, %div3A_35 : vector<1x128xf32>
    %sub3A_37 = vector.broadcast %div3A_29 : vector<1x128xf32> to vector<10000x128xf32>
    %sub3A_38 = arith.subf %add3A_26, %sub3A_37 : vector<10000x128xf32>
    %add3A_39 = arith.constant 9.99999974E-6 : f32
    %add3A_40 = vector.broadcast %add3A_39 : f32 to vector<1x128xf32>
    %add3A_41 = arith.addf %div3A_36, %add3A_40 : vector<1x128xf32>
    %rsqrt3A = math.rsqrt %add3A_41 : vector<1x128xf32>
    %mul3A_42 = vector.broadcast %rsqrt3A : vector<1x128xf32> to vector<10000x128xf32>
    %mul3A_43 = arith.mulf %sub3A_38, %mul3A_42 : vector<10000x128xf32>
    %get3A_44 = arith.constant 0 : index
    %get3A_45 = arith.constant 0 : index
    %get3A_46 = vector.load %arg5[%get3A_44, %get3A_45] : memref<1x128xf32, #tpu.memory_space<vmem>>, vector<1x128xf32>
    %mul3A_47 = vector.broadcast %get3A_46 : vector<1x128xf32> to vector<10000x128xf32>
    %mul3A_48 = arith.mulf %mul3A_43, %mul3A_47 : vector<10000x128xf32>
    %get3A_49 = arith.constant 0 : index
    %get3A_50 = arith.constant 0 : index
    %get3A_51 = vector.load %arg6[%get3A_49, %get3A_50] : memref<1x128xf32, #tpu.memory_space<vmem>>, vector<1x128xf32>
    %add3A_52 = vector.broadcast %get3A_51 : vector<1x128xf32> to vector<10000x128xf32>
    %add3A_53 = arith.addf %mul3A_48, %add3A_52 : vector<10000x128xf32>
    %max3A = arith.constant 0.000000e+00 : f32
    %max3A_54 = vector.broadcast %max3A : f32 to vector<10000x128xf32>
    %max3A_55 = arith.maximumf %add3A_53, %max3A_54 : vector<10000x128xf32>
    %get3A_56 = arith.constant 0 : index
    %get3A_57 = arith.constant 0 : index
    %get3A_58 = vector.load %arg7[%get3A_56, %get3A_57] : memref<128x128xf32, #tpu.memory_space<vmem>>, vector<128x128xf32>
    %dot_general3A_59 = arith.constant dense<0.000000e+00> : vector<10000x128xf32>
    %dot_general3A_60 = tpu.matmul %max3A_55, %get3A_58, %dot_general3A_59 {dimension_numbers = #tpu.dot_dimension_numbers<[1], [0], [0], [1], [0, 0, 1, 1], [], []>, transpose_lhs_hint = false} : vector<10000x128xf32>, vector<128x128xf32>, vector<10000x128xf32> -> vector<10000x128xf32>
    %get3A_61 = arith.constant 0 : index
    %get3A_62 = arith.constant 0 : index
    %get3A_63 = vector.load %arg8[%get3A_61, %get3A_62] : memref<1x128xf32, #tpu.memory_space<vmem>>, vector<1x128xf32>
    %add3A_64 = vector.broadcast %get3A_63 : vector<1x128xf32> to vector<10000x128xf32>
    %add3A_65 = arith.addf %dot_general3A_60, %add3A_64 : vector<10000x128xf32>
    %max3A_66 = arith.constant 0.000000e+00 : f32
    %max3A_67 = vector.broadcast %max3A_66 : f32 to vector<10000x128xf32>
    %max3A_68 = arith.maximumf %add3A_65, %max3A_67 : vector<10000x128xf32>
    %swap3A = arith.constant 0 : index
    %swap3A_69 = arith.constant 0 : index
    %swap3A_70 = vector.load %arg9[%swap3A, %swap3A_69] : memref<10000x128xf32, #tpu.memory_space<vmem>>, vector<10000x128xf32>
    tpu.vector_store %arg9[%swap3A, %swap3A_69], %max3A_68 {strides = array<i32>} : memref<10000x128xf32, #tpu.memory_space<vmem>>, vector<10000x128xf32>,
    return
  }
}

module attributes {stable_mosaic.version = 14 : i64} {
  func.func @_tc_layer_body(%arg0: memref<1x1xf32, #tpu.memory_space<vmem>>, %arg1: memref<10000x128xf32, #tpu.memory_space<vmem>>, %arg2: memref<2x10000x128xf32, #tpu.memory_space<vmem>>, %arg3: memref<128x128xf32, #tpu.memory_space<vmem>>, %arg4: memref<1x128xf32, #tpu.memory_space<vmem>>, %arg5: memref<1x128xf32, #tpu.memory_space<vmem>>, %arg6: memref<1x128xf32, #tpu.memory_space<vmem>>, %arg7: memref<128x128xf32, #tpu.memory_space<vmem>>, %arg8: memref<1x128xf32, #tpu.memory_space<vmem>>, %arg9: memref<10000x128xf32, #tpu.memory_space<vmem>>) attributes {dimension_semantics = [], scalar_prefetch = 0 : i64, scratch_operands = 0 : i64, tpu.core_type = #tpu.core_type<tc>} {
    %get3A = arith.constant 0 : index
    %get3A_0 = arith.constant 0 : index
    %get3A_1 = vector.load %arg1[%get3A, %get3A_0] : memref<10000x128xf32, #tpu.memory_space<vmem>>, vector<10000x128xf32>
    %get3A_2 = arith.constant 0 : index
    %get3A_3 = arith.constant 0 : index
    %get3A_4 = vector.load %arg0[%get3A_2, %get3A_3] : memref<1x1xf32, #tpu.memory_space<vmem>>, vector<1x1xf32>
    %mul3A = vector.broadcast %get3A_4 : vector<1x1xf32> to vector<10000x128xf32>
    %mul3A_5 = arith.mulf %mul3A, %get3A_1 : vector<10000x128xf32>
    %add3A = arith.addf %get3A_1, %mul3A_5 : vector<10000x128xf32>
    %get3A_6 = arith.constant 0 : index
    %get3A_7 = arith.constant 0 : index
    %get3A_8 = arith.constant 0 : index
    %get3A_9 = vector.load %arg2[%get3A_6, %get3A_7, %get3A_8] : memref<2x10000x128xf32, #tpu.memory_space<vmem>>, vector<1x10000x128xf32>
    %get3A_10 = vector.shape_cast %get3A_9 : vector<1x10000x128xf32> to vector<10000x128xf32>
    %add3A_11 = arith.addf %add3A, %get3A_10 : vector<10000x128xf32>
    %get3A_12 = arith.constant 1 : index
    %get3A_13 = arith.constant 0 : index
    %get3A_14 = arith.constant 0 : index
    %get3A_15 = vector.load %arg2[%get3A_12, %get3A_13, %get3A_14] : memref<2x10000x128xf32, #tpu.memory_space<vmem>>, vector<1x10000x128xf32>
    %get3A_16 = vector.shape_cast %get3A_15 : vector<1x10000x128xf32> to vector<10000x128xf32>
    %add3A_17 = arith.addf %add3A_11, %get3A_16 : vector<10000x128xf32>
    %get3A_18 = arith.constant 0 : index
    %get3A_19 = arith.constant 0 : index
    %get3A_20 = vector.load %arg3[%get3A_18, %get3A_19] : memref<128x128xf32, #tpu.memory_space<vmem>>, vector<128x128xf32>
    %dot_general3A = arith.constant dense<0.000000e+00> : vector<10000x128xf32>
    %dot_general3A_21 = tpu.matmul %add3A_17, %get3A_20, %dot_general3A {dimension_numbers = #tpu.dot_dimension_numbers<[1], [0], [0], [1], [0, 0, 1, 1], [], []>, transpose_lhs_hint = false} : vector<10000x128xf32>, vector<128x128xf32>, vector<10000x128xf32> -> vector<10000x128xf32>
    %get3A_22 = arith.constant 0 : index
    %get3A_23 = arith.constant 0 : index
    %get3A_24 = vector.load %arg4[%get3A_22, %get3A_23] : memref<1x128xf32, #tpu.memory_space<vmem>>, vector<1x128xf32>
    %add3A_25 = vector.broadcast %get3A_24 : vector<1x128xf32> to vector<10000x128xf32>
    %add3A_26 = arith.addf %dot_general3A_21, %add3A_25 : vector<10000x128xf32>
    %reduce_sum3A = arith.constant dense<0.000000e+00> : vector<128xf32>
    %reduce_sum3A_27 = vector.multi_reduction <add>, %add3A_26, %reduce_sum3A [0] : vector<10000x128xf32> to vector<128xf32>
    %broadcast_in_dim3A = vector.shape_cast %reduce_sum3A_27 : vector<128xf32> to vector<1x128xf32>
    %div3A = arith.constant 1.000000e+04 : f32
    %div3A_28 = vector.broadcast %div3A : f32 to vector<1x128xf32>
    %div3A_29 = arith.divf %broadcast_in_dim3A, %div3A_28 : vector<1x128xf32>
    %sub3A = vector.broadcast %div3A_29 : vector<1x128xf32> to vector<10000x128xf32>
    %sub3A_30 = arith.subf %add3A_26, %sub3A : vector<10000x128xf32>
    %integer_pow3A = arith.mulf %sub3A_30, %sub3A_30 : vector<10000x128xf32>
    %reduce_sum3A_31 = arith.constant dense<0.000000e+00> : vector<128xf32>
    %reduce_sum3A_32 = vector.multi_reduction <add>, %integer_pow3A, %reduce_sum3A_31 [0] : vector<10000x128xf32> to vector<128xf32>
    %broadcast_in_dim3A_33 = vector.shape_cast %reduce_sum3A_32 : vector<128xf32> to vector<1x128xf32>
    %div3A_34 = arith.constant 1.000000e+04 : f32
    %div3A_35 = vector.broadcast %div3A_34 : f32 to vector<1x128xf32>
    %div3A_36 = arith.divf %broadcast_in_dim3A_33, %div3A_35 : vector<1x128xf32>
    %sub3A_37 = vector.broadcast %div3A_29 : vector<1x128xf32> to vector<10000x128xf32>
    %sub3A_38 = arith.subf %add3A_26, %sub3A_37 : vector<10000x128xf32>
    %add3A_39 = arith.constant 9.99999974E-6 : f32
    %add3A_40 = vector.broadcast %add3A_39 : f32 to vector<1x128xf32>
    %add3A_41 = arith.addf %div3A_36, %add3A_40 : vector<1x128xf32>
    %rsqrt3A = math.rsqrt %add3A_41 : vector<1x128xf32>
    %mul3A_42 = vector.broadcast %rsqrt3A : vector<1x128xf32> to vector<10000x128xf32>
    %mul3A_43 = arith.mulf %sub3A_38, %mul3A_42 : vector<10000x128xf32>
    %get3A_44 = arith.constant 0 : index
    %get3A_45 = arith.constant 0 : index
    %get3A_46 = vector.load %arg5[%get3A_44, %get3A_45] : memref<1x128xf32, #tpu.memory_space<vmem>>, vector<1x128xf32>
    %mul3A_47 = vector.broadcast %get3A_46 : vector<1x128xf32> to vector<10000x128xf32>
    %mul3A_48 = arith.mulf %mul3A_43, %mul3A_47 : vector<10000x128xf32>
    %get3A_49 = arith.constant 0 : index
    %get3A_50 = arith.constant 0 : index
    %get3A_51 = vector.load %arg6[%get3A_49, %get3A_50] : memref<1x128xf32, #tpu.memory_space<vmem>>, vector<1x128xf32>
    %add3A_52 = vector.broadcast %get3A_51 : vector<1x128xf32> to vector<10000x128xf32>
    %add3A_53 = arith.addf %mul3A_48, %add3A_52 : vector<10000x128xf32>
    %max3A = arith.constant 0.000000e+00 : f32
    %max3A_54 = vector.broadcast %max3A : f32 to vector<10000x128xf32>
    %max3A_55 = arith.maximumf %add3A_53, %max3A_54 : vector<10000x128xf32>
    %get3A_56 = arith.constant 0 : index
    %get3A_57 = arith.constant 0 : index
    %get3A_58 = vector.load %arg7[%get3A_56, %get3A_57] : memref<128x128xf32, #tpu.memory_space<vmem>>, vector<128x128xf32>
    %dot_general3A_59 = arith.constant dense<0.000000e+00> : vector<10000x128xf32>
    %dot_general3A_60 = tpu.matmul %max3A_55, %get3A_58, %dot_general3A_59 {dimension_numbers = #tpu.dot_dimension_numbers<[1], [0], [0], [1], [0, 0, 1, 1], [], []>, transpose_lhs_hint = false} : vector<10000x128xf32>, vector<128x128xf32>, vector<10000x128xf32> -> vector<10000x128xf32>
    %get3A_61 = arith.constant 0 : index
    %get3A_62 = arith.constant 0 : index
    %get3A_63 = vector.load %arg8[%get3A_61, %get3A_62] : memref<1x128xf32, #tpu.memory_space<vmem>>, vector<1x128xf32>
    %add3A_64 = vector.broadcast %get3A_63 : vector<1x128xf32> to vector<10000x128xf32>
    %add3A_65 = arith.addf %dot_general3A_60, %add3A_64 : vector<10000x128xf32>
    %max3A_66 = arith.constant 0.000000e+00 : f32
    %max3A_67 = vector.broadcast %max3A_66 : f32 to vector<10000x128xf32>
    %max3A_68 = arith.maximumf %add3A_65, %max3A_67 : vector<10000x128xf32>
    %swap3A = arith.constant 0 : index
    %swap3A_69 = arith.constant 0 : index
    %swap3A_70 = vector.load %arg9[%swap3A, %swap3A_69] : memref<10000x128xf32, #tpu.memory_space<vmem>>, vector<10000x128xf32>
    tpu.vector_store %arg9[%swap3A, %swap3A_69], %max3A_68 {strides = array<i32>} : memref<10000x128xf32, #tpu.memory_space<vmem>>, vector<10000x128xf32>,
    return
  }
}

</mosaic_0001>

<sc_bundles>
// kernel: kernel.6.cloned.1.call-start
scs
__scs_entry_jumppad:
0x0: {  	(pc) =	sbr.rel $0x88, $3  }
0x1: {  	(tag) =	ssettag $0x0;
	lr =	simm.s32 $0x1  }
0x2: {  	[smem:$0x3F91] =	sst lr;
	_ =	strace $0xD0000000  }
0x3: {  	_ = 	snop  }
0x4: {  	_ = 	snop  }
0x5: {  	_ = 	snop  }
0x6: {  	_ = 	snop  }
0x7: {  	_ = 	snop  }
__scs_overlays_trampoline_lowered:
0x8: {  	[smem:$0x3FA0] =	sst s0  }
0x9: {  	[smem:$0x3FA1] =	sst s1  }
0xa: {  	[smem:$0x3FA2] =	sst s2  }
0xb: {  	[smem:$0x3FA3] =	sst s3  }
0xc: {  	[smem:$0x3FA4] =	sst s4  }
0xd: {  	[smem:$0x3FA5] =	sst s5  }
0xe: {  	[smem:$0x3FA6] =	sst s6  }
0xf: {  	[smem:$0x3FA7] =	sst s7  }
0x10: {  	[smem:$0x3FA8] =	sst s8  }
0x11: {  	[smem:$0x3FA9] =	sst s9;
	s0 =	simm.s32 @!p0 $0x0  }
0x12: {  	s1 =	sld [smem:$0x3F8F];
	s0 =	simm.s32 @p0 $0x1  }
0x13: {  	[smem:$0x3FAA] =	sst s0;
	s0 =	simm.s32 @!p1 $0x0  }
0x14: {  	s2 =	sld [smem:$0x3F8E];
	s0 =	simm.s32 @p1 $0x1  }
0x15: {  	[smem:$0x3FAB] =	sst s0;
	s0 =	simm.s32 @!p2 $0x0  }
0x16: {  	s3 =	sld [smem:$0x3FDB];
	s0 =	simm.s32 @p2 $0x1  }
0x17: {  	s4 =	simm.s32 $0x1BF5;
	[smem:$0x3FAD] =	sst s0  }
0x18: {  	s0 =	sld [smem:$0x3F90];
	_ =	swait.ge [sflag:s4], $0x0  }
0x19: {  	s7 =	sld [smem:$0x3F91]  }
0x1a: {  	s8 =	sadd.s32 $0xFFFFE003, lr  }
0x1b: {  	s9 =	sadd.s32 $0xFFFFFEF7, lr;
	s5 =	simm.s32 $0xFFFFFFFF;
	p2 =	slt.u32 s8, $0xFFFFF086  }
0x1c: {  	p1 =	slt.u32 s9, $0xF7A;
	s5 =	simm.s32 @!p2 $0x0  }
0x1d: {  	s5 =	simm.s32 @p1 $0x1;
	p0 =	seq.s32 s7, s2  }
0x1e: {  	s7 =	smul.u32 @!p0 $0xF7A, s2;
	p2 =	seq.s32 @!p0 s5, $0x0  }
0x1f: {  	s9 =	smul.u32 $0xF7A, s1;
	s8 =	simm.s32 @!p0 $0x1BF5;
	p2 =	por !p2, p0  }
0x20: {  	[sflag:s8] =	ssyncset.s32 @!p0 $0xFFFFF086;
	s6 =	sadd.s32 @!p0 s3, s7;
	s7 =	simm.s32 @!p0 $0x108  }
0x21: {  	s3 =	sadd.s32 s3, s9;
	s6 =	sadd.s32 @!p0 $0x88, s6;
	s7 =	simm.s32 @p2 $0x1082  }
0x22: {  	[simem:s7], [sflag:s8] =	dma.local @!p0 [hbm:s6], $0xF7A  }
0x23: {  	s9 =	sor.u32 $0xD0000000, s2;
	s6 =	simm.s32 $0x108;
	_ =	swait.ge @!p0 [sflag:s8], $0x0  }
0x24: {  	s3 =	sadd.s32 $0x88, s3;
	s6 =	simm.s32 @!p1 $0x1082;
	[sflag:s4] =	ssyncset.s32 $0xFFFFF086  }
0x25: {  	[simem:s6], [sflag:s4] =	dma.local [hbm:s3], $0xF7A  }
0x26: {  	[smem:$0x3F91] =	sst s1;
	(tag) =	ssettag s2;
	_ =	strace s9  }
0x27: {  	s1 =	sld [smem:$0x3FA1]  }
0x28: {  	s2 =	sld [smem:$0x3FA2]  }
0x29: {  	s4 =	sld [smem:$0x3FA4]  }
0x2a: {  	p0 =	seq.s32 s5, $0x0;
	s5 =	sld [smem:$0x3FA5]  }
0x2b: {  	s6 =	sld [smem:$0x3FA6]  }
0x2c: {  	s7 =	sld [smem:$0x3FA7]  }
0x2d: {  	s3 =	simm.s32 $0x108;
	s8 =	sld [smem:$0x3FA8]  }
0x2e: {  	s3 =	simm.s32 @!p0 $0x1082;
	s9 =	sld [smem:$0x3FA9]  }
0x2f: {  	lr =	sadd.s32 s0, s3;
	s0 =	sld [smem:$0x3FA0]  }
0x30: {  	s3 =	sld [smem:$0x3FA3]  }
0x31: {  	[smem:$0x3FAC] =	sst s10  }
0x32: {  	s10 =	sld [smem:$0x3FAA];
	_ =	sdelay $0x3  }
0x33: {  	p0 =	seq.s32 s10, $0x1;
	s10 =	sld [smem:$0x3FAC];
	_ =	sdelay $0x3  }
0x34: {  	[smem:$0x3FAC] =	sst s10  }
0x35: {  	s10 =	sld [smem:$0x3FAB];
	_ =	sdelay $0x3  }
0x36: {  	p1 =	seq.s32 s10, $0x1;
	s10 =	sld [smem:$0x3FAC];
	_ =	sdelay $0x3  }
0x37: {  	[smem:$0x3FAC] =	sst s10  }
0x38: {  	s10 =	sld [smem:$0x3FAD]  }
0x39: {  	_ = 	snop;
	(pc) =	sbr.ind lr, $3  }
0x3a: {  	_ = 	snop  }
0x3b: {  	_ = 	snop  }
0x3c: {  	p2 =	seq.s32 s10, $0x1;
	s10 =	sld [smem:$0x3FAC]  }
0x3d: {  	_ =	shalt  }
0x3e: {  	_ =	shalt  }
0x3f: {  	_ =	shalt  }
0x40: {  	_ =	shalt  }
0x41: {  	_ =	shalt  }
0x42: {  	_ =	shalt  }
0x43: {  	_ =	shalt  }
0x44: {  	_ =	shalt  }
0x45: {  	_ =	shalt  }
0x46: {  	_ =	shalt  }
0x47: {  	_ =	shalt  }
0x48: {  	_ =	shalt  }
0x49: {  	_ =	shalt  }
0x4a: {  	_ =	shalt  }
0x4b: {  	_ =	shalt  }
0x4c: {  	_ =	shalt  }
0x4d: {  	_ =	shalt  }
0x4e: {  	_ =	shalt  }
0x4f: {  	_ =	shalt  }
0x50: {  	_ =	shalt  }
0x51: {  	_ =	shalt  }
0x52: {  	_ =	shalt  }
0x53: {  	_ =	shalt  }
0x54: {  	_ =	shalt  }
0x55: {  	_ =	shalt  }
0x56: {  	_ =	shalt  }
0x57: {  	_ =	shalt  }
0x58: {  	_ =	shalt  }
0x59: {  	_ =	shalt  }
0x5a: {  	_ =	shalt  }
0x5b: {  	_ =	shalt  }
0x5c: {  	_ =	shalt  }
0x5d: {  	_ =	shalt  }
0x5e: {  	_ =	shalt  }
0x5f: {  	_ =	shalt  }
0x60: {  	_ =	shalt  }
0x61: {  	_ =	shalt  }
0x62: {  	_ =	shalt  }
0x63: {  	_ =	shalt  }
0x64: {  	_ =	shalt  }
0x65: {  	_ =	shalt  }
0x66: {  	_ =	shalt  }
0x67: {  	_ =	shalt  }
0x68: {  	_ =	shalt  }
0x69: {  	_ =	shalt  }
0x6a: {  	_ =	shalt  }
0x6b: {  	_ =	shalt  }
0x6c: {  	_ =	shalt  }
0x6d: {  	_ =	shalt  }
0x6e: {  	_ =	shalt  }
0x6f: {  	_ =	shalt  }
0x70: {  	_ =	shalt  }
0x71: {  	_ =	shalt  }
0x72: {  	_ =	shalt  }
0x73: {  	_ =	shalt  }
0x74: {  	_ =	shalt  }
0x75: {  	_ =	shalt  }
0x76: {  	_ =	shalt  }
0x77: {  	_ =	shalt  }
0x78: {  	_ =	shalt  }
0x79: {  	_ =	shalt  }
0x7a: {  	_ =	shalt  }
0x7b: {  	_ =	shalt  }
0x7c: {  	_ =	shalt  }
0x7d: {  	_ =	shalt  }
0x7e: {  	_ =	shalt  }
0x7f: {  	_ =	shalt  }
0x80: {  	_ =	shalt  }
0x81: {  	_ =	shalt  }
0x82: {  	_ =	shalt  }
0x83: {  	_ =	shalt  }
0x84: {  	_ =	shalt  }
0x85: {  	_ =	shalt  }
0x86: {  	_ =	shalt  }
0x87: {  	_ =	shalt  }
.Lfunc_end0:
.L_simem_size_0:
called_computation_lowered:
.L_overlay_start_0:
0x88: {  	s2 =	sld [smem:$0x3FD9]  }
0x89: {  	s3 =	sld [smem:$0x3FFE];
	_ =	sdelay $0x1  }
0x8a: {  	s1 =	srdreg.scid  }
0x8b: {  	s0 =	sand.u32 $0x1, s1  }
0x8c: {  	s17 =	sshll.u32 s0, $0xA;
	s2 =	sadd.s32 s3, s2  }
0x8d: {  	s2 =	sadd.s32 s2, s17  }
0x8e: {  	[smem:$0x3FB8] =	sst s2  }
0x8f: {  	_ = 	snop  }
0x90: {  	s2 =	sld [smem:$0x3FC9];
	(tm) =	ssettm $0x1  }
0x91: {  	s18 =	sld [smem:$0x3FFB];
	_ =	sdelay $0x3  }
0x92: {  	_ =	strace s18  }
0x93: {  	s3 =	sld [smem:$0x3FFC];
	_ =	sdelay $0x3  }
0x94: {  	_ =	strace s3  }
0x95: {  	s3 =	sld [smem:$0x3FFD];
	_ =	sdelay $0x3  }
0x96: {  	_ =	strace s3  }
0x97: {  	_ =	strace $0x8FFFFFFF  }
0x98: {  	s19 =	sld [smem:$0x3FDB];
	_ =	sdelay $0x1  }
0x99: {  	s4 =	simm.s32 $_scs_section_size  }
0x9a: {  	s5 =	simm.s32 $_size__tile_overlayer_lowered;
	s6 =	simm.s32 $_tile_overlayer_lowered  }
0x9b: {  	s22 =	simm.s32 $0x1BFF;
	s21 =	sshll.u32 s6, $0x1;
	s3 =	sadd.s32 s4, s19  }
0x9c: {  	s7 =	simm.s32 $0x0;
	s20 =	sshll.u32 s5, $0x1;
	s5 =	sadd.s32 s21, s3  }
0x9d: {  	[timem:s7], [sflag:s22] =	dma.local [hbm:s5], s20  }
0x9e: {  	_ =	swait.ge [sflag:s22], s20  }
0x9f: {  	s4 =	ssub.s32 $0x0, s20;
	[sflag:s22] =	ssyncset.done $0x0  }
0xa0: {  	[sflag:s22] =	ssyncadd.s32 s4;
	_ =	sdelay $0x1  }
0xa1: {  	s23 =	simm.s32 $0x1B8B  }
0xa2: {  	_ =	swait.ge [sflag:s23], $0x1  }
0xa3: {  	[sflag:s23] =	ssyncset.done $0x0  }
0xa4: {  	s25 =	simm.s32 $0x1B8E;
	s24 =	sld [smem:$0x3FFE];
	[sflag:s23] =	ssyncadd.s32 $0xFFFFFFFF  }
0xa5: {  	s26 =	simm.s32 $execute0_lowered;
	[smem:$0x3FD2] =	sst s25  }
0xa6: {  	s5 =	sshll.u32 s26, $0x1;
	_ =	strace $0x80000046;
	[dreg:$0x1] =	wrdreg $0xFFFFFFFF  }
0xa7: {  	s28 =	simm.s32 $_size_execute0_lowered;
	s3 =	sadd.s32 s3, s5;
	[dreg:$0x0] =	wrdreg $0x0  }
0xa8: {  	s5 =	sshll.u32 s28, $0x1;
	[dreg:$0x2] =	wrdreg s3  }
0xa9: {  	[dreg:$0x3] =	wrdreg s5  }
0xaa: {  	[dreg:$0x4] =	wrdreg $0xC0  }
0xab: {  	_ =	task [dreg:s7], $0x5FFFF  }
0xac: {  	[dreg:$0x1] =	wrdreg $0xFFFFFFFF  }
0xad: {  	[dreg:$0x0] =	wrdreg $0x60  }
0xae: {  	[dreg:$0x2] =	wrdreg s2  }
0xaf: {  	[dreg:$0x3] =	wrdreg s24  }
0xb0: {  	[dreg:$0x4] =	wrdreg $0x7A000  }
0xb1: {  	[dreg:$0x5] =	wrdreg $0x9  }
0xb2: {  	_ =	task.clear_ibuf [dreg:s7], $0x6FFFF;
	_ =	strace $0x90000046  }
0xb3: {  	s29 =	simm.s32 $0x9;
	_ =	strace $0x80000048  }
0xb4: {  	_ =	swait.ge [sflag:s29], $0x1  }
0xb5: {  	[sflag:s29] =	ssyncadd.s32 $0xFFFFFFFF  }
0xb6: {  	_ =	strace $0x90000048  }
0xb7: {  	_ =	sfence  }
0xb8: {  	s30 =	sld [smem:$0x0];
	_ =	sdelay $0x2  }
0xb9: {  	s31 =	sshll.u32 s1, $0xD;
	s1 =	sshrl.u32 s1, $0x2  }
0xba: {  	s3 =	sand.u32 $0x4000, s31;
	s1 =	sadd.s32 s1, s30  }
0xbb: {  	s0 =	sor.u32 s3, s0;
	s1 =	sshll.u32 s1, $0x11  }
0xbc: {  	s0 =	sor.u32 s1, s0  }
0xbd: {  	s0 =	sadd.s32 $0x8F2B, s0  }
0xbe: {  	[sflag:s0] =	ssyncadd.remote.s32 $0x1  }
0xbf: {  	_ =	sfence.sel $0xFFFF  }
0xc0: {  	[dreg:$0x0] =	wrdreg $0xFFFFFFFF;
	(pc) =	sbr.abs _section_cstart, $3  }
0xc1: {  	[dreg:$0x1] =	wrdreg $0xFFFFFFFF  }
0xc2: {  	_ =	task.clear_ibuf [dreg:s7], $0x2FFFF;
	_ =	strace $0x9FFFFFFF  }
0xc3: {  	(tm) =	ssettm $0x7FFFFFFF  }
tec
execute0_lowered:
.L_overlay_start_1:
0x0: {  	(tag) =	ssettag $0x1  }
0x1: {  	s1 =	rddreg [dreg:$0x0]  }
0x2: {  	s5 =	rddreg [dreg:$0x1]  }
0x3: {  	s2 =	rddreg [dreg:$0x2]  }
0x4: {  	s0 =	rddreg [dreg:$0x3];
	s4 =	simm.s32 $0x0;
	s3 =	srdreg.scid  }
0x5: {  	s15 =	simm.s32 $0x5;
	s16 =	simm.s32 $0x1;
	s17 =	simm.s32 $0x50  }
0x6: {  	s18 =	simm.s32 $0x200;
	s19 =	simm.s32 $0x2;
	s20 =	simm.s32 $0x2A00  }
0x7: {  	s21 =	simm.s32 $0x3;
	s22 =	simm.s32 $0x80;
	s23 =	simm.s32 $0x4  }
0x8: {  	s24 =	simm.s32 $0x180;
	[smem:$0x7FF] =	sst s4;
	s6 =	sand.u32 $0x1, s3  }
0x9: {  	s25 =	simm.s32 $0x0;
	s3 =	stileid.u32;
	s7 =	smul.u32 $0x138800, s6  }
0xa: {  	s11 =	sadd.s32 $0x3000, s5;
	_ =	strace $0x80000047;
	s8 =	smul.u32 $0x2800, s3  }
0xb: {  	s9 =	sshll.u32 s6, $0x13;
	s10 =	sshll.u32 s3, $0xF;
	s6 =	ssub.s32 $0x2, s6  }
0xc: {  	s29 =	ssub.s32 $0x8C, s3;
	s30 =	smul.u32 $0xA000, s3;
	s9 =	sor.u32 s10, s9  }
0xd: {  	s28 =	sshrl.u32 s6, $0x1;
	s7 =	sadd.s32 s8, s7;
	s10 =	sshrl.u32 s9, $0x3  }
0xe: {  	s8 =	ssub.s32 s6, s28;
	s13 =	sor.u32 $0x300, s9;
	s14 =	sor.u32 $0x200, s9  }
0xf: {  	s7 =	sshrl.u32 s7, $0x3;
	s8 =	smax.u32 s8, $0x1;
	s13 =	sshrl.u32 s13, $0x3  }
0x10: {  	s31 =	sshrl.u32 s14, $0x3;
	s14 =	simm.s32 $0x5200;
	s12 =	sadd.s32 s7, s5  }
0x11: {  	s5 =	sadd.s32 s11, s10;
	s7 =	sshrl.u32 s29, $0x4;
	s10 =	sshrl.u32 s30, $0x2  }
0x12: {  	s6 =	sadd.s32 $0x20, s5;
	s9 =	sadd.s32 s10, s2;
	s10 =	sadd.s32 s13, s11  }
0x13: {  	v0 =	vimm.f32 $0.0e+00;
	s11 =	sadd.s32 s31, s11;
	s12 =	sadd.s32 $0x23000, s12;
	s13 =	simm.s32 $0x100  }
.LBB2_1:
0x14: {  	[tilespmem:s4], [sflag:$0x1] =	stream.linear.gather [hbm4b:s5+s4], $0x100, $0x38;
	[tilespmem:$0x1B280] =	vst v63  }
0x15: {  	s26 =	simm.s32 $0x70;
	s28 =	simm.s32 $0x3C0  }
0x16: {  	[tilespmem:s13], [sflag:$0x2] =	stream.linear.gather [hbm4b:s6+s4], $0x100, $0x38;
	[tilespmem:$0x1B280] =	vst v63  }
.LBB2_2:
0x17: {  	p0 =	sne.s32 s28, $0x9FC0;
	[tilespmem:s26+$0x5200] =	vst v0  }
0x18: {  	[tilespmem:s26+$0x5190] =	vst v0  }
0x19: {  	[tilespmem:s26+$0x51A0] =	vst v0  }
.Ltmp0:
0x1a: {  	[tilespmem:s26+$0x51B0] =	vst v0;
	(pc) =	sbr.rel @p0 .LBB2_2-.Ltmp0, $4  }
0x1b: {  	[tilespmem:s26+$0x51C0] =	vst v0  }
0x1c: {  	[tilespmem:s26+$0x51D0] =	vst v0  }
0x1d: {  	[tilespmem:s26+$0x51E0] =	vst v0  }
0x1e: {  	[tilespmem:s26+$0x51F0] =	vst v0;
	s26 =	sshra.s32 s28, $0x2;
	s28 =	sadd.s32 $0x200, s28  }
0x1f: {  	[tilespmem:s26+$0x5200] =	vst v0  }
0x20: {  	[tilespmem:s26+$0x5190] =	vst v0  }
0x21: {  	[tilespmem:s26+$0x51A0] =	vst v0  }
0x22: {  	[tilespmem:s26+$0x51B0] =	vst v0  }
0x23: {  	[tilespmem:s26+$0x51C0] =	vst v0  }
0x24: {  	[tilespmem:s26+$0x51D0] =	vst v0;
	p0 =	sne.s32 s7, $0x1  }
.Ltmp1:
0x25: {  	[tilespmem:s26+$0x51E0] =	vst v0;
	(pc) =	sbr.rel @!p0 .LBB2_5-.Ltmp1, $4  }
0x26: {  	[tilespmem:s26+$0x51F0] =	vst v0  }
0x27: {  	[spmem:s9] =	stream.linear.scatter [tilespmem:s14], [sflag:$0x5], $0x2800, $0x38;
	[tilespmem:$0x1B280] =	vst v63  }
0x28: {  	_ =	swait.ge [sflag:s15], $0x2800  }
0x29: {  	s26 =	sadd.s32 $0xFFFFFFFF, s7;
	s28 =	smov.u32 s9;
	[sflag:s15] =	ssyncset.done $0x0  }
.LBB2_4:
0x2a: {  	p1 =	sne.s32 s26, $0x1;
	[sflag:s15] =	ssyncadd.s32 $0xFFFFD800;
	s28 =	sadd.s32 $0x28000, s28  }
.Ltmp2:
0x2b: {  	s26 =	sadd.s32 $0xFFFFFFFF, s26;
	(pc) =	sbr.rel @p1 .LBB2_4-.Ltmp2, $4  }
0x2c: {  	_ = 	snop  }
0x2d: {  	[spmem:s28] =	stream.linear.scatter [tilespmem:s14], [sflag:$0x5], $0x2800, $0x38;
	[tilespmem:$0x1B280] =	vst v63  }
0x2e: {  	_ =	swait.ge [sflag:s15], $0x2800  }
0x2f: {  	[sflag:s15] =	ssyncset.done $0x0  }
.LBB2_5:
0x30: {  	[sflag:s15] =	ssyncadd.s32 $0xFFFFD800  }
0x31: {  	_ =	swait.ge [sflag:s16], $0x100  }
0x32: {  	[sflag:s16] =	ssyncset.done $0x0  }
0x33: {  	s26 =	simm.s32 $0x0;
	[sflag:s16] =	ssyncadd.s32 $0xFFFFFF00  }
0x34: {  	[tilespmem:s18], [sflag:$0x3] =	stream.indirect.gather [hbm4b:s1+s17], $0x80, s26, s17, $0xb8;
	[tilespmem:$0x1B280] =	vst v63  }
0x35: {  	[bflag:$0x0] =	sbarrier.arrive $0xFFFF  }
0x36: {  	_ =	swait.ge [sflag:s19], $0x100  }
0x37: {  	[sflag:s19] =	ssyncset.done $0x0  }
0x38: {  	[sflag:s19] =	ssyncadd.s32 $0xFFFFFF00  }
0x39: {  	[tilespmem:s20], [sflag:$0x4] =	stream.indirect.gather [hbm4b:s1+s17], $0x80, s13, s17, $0xb8;
	[tilespmem:$0x1B280] =	vst v63  }
0x3a: {  	_ =	swait.ge [sflag:s21], $0x2800  }
0x3b: {  	[sflag:s21] =	ssyncset.done $0x0  }
0x3c: {  	[sflag:s21] =	ssyncadd.s32 $0xFFFFD800  }
0x3d: {  	[spmem:s2] =	stream.indirect.scatter.add.f32 [tilespmem:s18], [sflag:$0x5], $0x80, s22, s17, $0xb8;
	[tilespmem:$0x1B280] =	vst v63  }
0x3e: {  	_ =	swait.ge [sflag:s15], $0x2800  }
0x3f: {  	[sflag:s15] =	ssyncset.done $0x0  }
0x40: {  	s30 =	sadd.s32 $0x0, s11;
	[sflag:s15] =	ssyncadd.s32 $0xFFFFD800  }
0x41: {  	[tilespmem:s4], [sflag:$0x1] =	stream.linear.gather [hbm4b:s30+s4], $0x100, $0x38;
	[tilespmem:$0x1B280] =	vst v63  }
0x42: {  	_ =	swait.ge [sflag:s23], $0x2800  }
0x43: {  	[sflag:s23] =	ssyncset.done $0x0  }
0x44: {  	[sflag:s23] =	ssyncadd.s32 $0xFFFFD800  }
0x45: {  	[spmem:s2] =	stream.indirect.scatter.add.f32 [tilespmem:s20], [sflag:$0x5], $0x80, s24, s17, $0xb8;
	[tilespmem:$0x1B280] =	vst v63  }
0x46: {  	_ =	swait.ge [sflag:s15], $0x2800  }
0x47: {  	[sflag:s15] =	ssyncset.done $0x0  }
0x48: {  	s31 =	sadd.s32 $0x0, s10;
	[sflag:s15] =	ssyncadd.s32 $0xFFFFD800  }
0x49: {  	[tilespmem:s13], [sflag:$0x2] =	stream.linear.gather [hbm4b:s31+s4], $0x100, $0x38;
	[tilespmem:$0x1B280] =	vst v63  }
0x4a: {  	_ =	swait.ge [sflag:s16], $0x100  }
0x4b: {  	[sflag:s16] =	ssyncset.done $0x0  }
0x4c: {  	s26 =	simm.s32 $0x40;
	[sflag:s16] =	ssyncadd.s32 $0xFFFFFF00  }
.LBB2_6:
0x4d: {  	[tilespmem:s18], [sflag:$0x3] =	stream.indirect.gather [hbm4b:s1+s17], $0x80, s4, s17, $0xb8;
	[tilespmem:$0x1B280] =	vst v63  }
0x4e: {  	s28 =	smov.u32 s26  }
0x4f: {  	p1 =	sne.s32 s26, $0xF40;
	s26 =	sadd.s32 $0x40, s26;
	_ =	swait.ge [sflag:s19], $0x100  }
0x50: {  	[sflag:s19] =	ssyncset.done $0x0  }
0x51: {  	[sflag:s19] =	ssyncadd.s32 $0xFFFFFF00  }
0x52: {  	[tilespmem:s20], [sflag:$0x4] =	stream.indirect.gather [hbm4b:s1+s17], $0x80, s13, s17, $0xb8;
	[tilespmem:$0x1B280] =	vst v63  }
0x53: {  	_ =	swait.ge [sflag:s21], $0x2800  }
0x54: {  	[sflag:s21] =	ssyncset.done $0x0  }
0x55: {  	[sflag:s21] =	ssyncadd.s32 $0xFFFFD800  }
0x56: {  	[spmem:s2] =	stream.indirect.scatter.add.f32 [tilespmem:s18], [sflag:$0x5], $0x80, s22, s17, $0xb8;
	[tilespmem:$0x1B280] =	vst v63  }
0x57: {  	_ =	swait.ge [sflag:s15], $0x2800  }
0x58: {  	[sflag:s15] =	ssyncset.done $0x0  }
0x59: {  	s29 =	sadd.s32 s28, s11;
	[sflag:s15] =	ssyncadd.s32 $0xFFFFD800  }
0x5a: {  	[tilespmem:s4], [sflag:$0x1] =	stream.linear.gather [hbm4b:s29+s4], $0x100, $0x38;
	[tilespmem:$0x1B280] =	vst v63  }
0x5b: {  	_ =	swait.ge [sflag:s23], $0x2800  }
0x5c: {  	[sflag:s23] =	ssyncset.done $0x0  }
0x5d: {  	[sflag:s23] =	ssyncadd.s32 $0xFFFFD800  }
0x5e: {  	[spmem:s2] =	stream.indirect.scatter.add.f32 [tilespmem:s20], [sflag:$0x5], $0x80, s24, s17, $0xb8;
	[tilespmem:$0x1B280] =	vst v63  }
0x5f: {  	_ =	swait.ge [sflag:s15], $0x2800  }
0x60: {  	[sflag:s15] =	ssyncset.done $0x0  }
.Ltmp3:
0x61: {  	s28 =	sadd.s32 s28, s10;
	[sflag:s15] =	ssyncadd.s32 $0xFFFFD800;
	(pc) =	sbr.rel @p1 .LBB2_6-.Ltmp3, $4  }
0x62: {  	[tilespmem:s13], [sflag:$0x2] =	stream.linear.gather [hbm4b:s28+s4], $0x100, $0x38;
	[tilespmem:$0x1B280] =	vst v63  }
0x63: {  	_ =	swait.ge [sflag:s16], $0x100  }
0x64: {  	[sflag:s16] =	ssyncset.done $0x0  }
0x65: {  	[sflag:s16] =	ssyncadd.s32 $0xFFFFFF00  }
0x66: {  	[tilespmem:s18], [sflag:$0x3] =	stream.indirect.gather [hbm4b:s1+s17], $0x80, s4, s17, $0xb8;
	[tilespmem:$0x1B280] =	vst v63  }
0x67: {  	_ =	swait.ge [sflag:s21], $0x2800  }
0x68: {  	[sflag:s21] =	ssyncset.done $0x0  }
0x69: {  	[sflag:s21] =	ssyncadd.s32 $0xFFFFD800  }
0x6a: {  	[spmem:s2] =	stream.indirect.scatter.add.f32 [tilespmem:s18], [sflag:$0x5], $0x80, s22, s17, $0xb8;
	[tilespmem:$0x1B280] =	vst v63  }
0x6b: {  	_ =	swait.ge [sflag:s15], $0x2800  }
0x6c: {  	[sflag:s15] =	ssyncset.done $0x0  }
0x6d: {  	[sflag:s15] =	ssyncadd.s32 $0xFFFFD800  }
0x6e: {  	_ =	swait.ge [sflag:s19], $0x100  }
.Ltmp4:
0x6f: {  	[sflag:s19] =	ssyncset.done $0x0;
	(pc) =	sbr.rel @!p0 .LBB2_9-.Ltmp4, $4  }
0x70: {  	s26 =	sshll.u32 s3, $0x6;
	s28 =	sshrl.u32 s9, $0x3;
	[sflag:s19] =	ssyncadd.s32 $0xFFFFFF00  }
0x71: {  	s29 =	sadd.s32 $0x5000, s12;
	s26 =	sor.u32 $0x1C05, s26;
	[bflag:$0x0] =	sbarrier.arrive $0xFFFF  }
0x72: {  	[hbm:s12], [sflag:s26] =	dma.local [spmem:s28], $0x500  }
0x73: {  	s30 =	smov.u32 s9;
	s28 =	sadd.s32 $0xFFFFFFFF, s7;
	_ =	swait.ge [sflag:s15], $0x500  }
.LBB2_8:
0x74: {  	[sflag:s15] =	ssyncset.done $0x0;
	s30 =	sadd.s32 $0x28000, s30;
	p0 =	sne.s32 s28, $0x1  }
.Ltmp5:
0x75: {  	s31 =	sshrl.u32 s30, $0x3;
	[sflag:s15] =	ssyncadd.s32 $0xFFFFFB00;
	(pc) =	sbr.rel @p0 .LBB2_8-.Ltmp5, $3  }
0x76: {  	[hbm:s29], [sflag:s26] =	dma.local [spmem:s31], $0x500  }
0x77: {  	s28 =	sadd.s32 $0xFFFFFFFF, s28;
	_ =	sdelay $0x1  }
0x78: {  	s29 =	sadd.s32 $0x5000, s29;
	_ =	swait.ge [sflag:s15], $0x500  }
.LBB2_9:
0x79: {  	s25 =	sadd.s32 $0x1, s25  }
0x7a: {  	p0 =	sne.s32 s25, s8  }
.Ltmp6:
0x7b: {  	_ = 	snop;
	(pc) =	sbr.rel @p0 .LBB2_1-.Ltmp6, $3  }
0x7c: {  	_ =	sdelay $0x1  }
0x7d: {  	[sflag:s15] =	ssyncset.done $0x0  }
0x7e: {  	[sflag:s15] =	ssyncadd.s32 $0xFFFFFB00  }
0x7f: {  	_ =	sfence.sel $0x180000  }
0x80: {  	[bflag:$0x0] =	sbarrier.arrive $0xFFFF  }
0x81: {  	p0 =	sne.s32 s3, $0x0;
	_ =	strace $0x90000047  }
0x82: {  	s0 =	sadd.s32 @!p0 $0x100000, s0;
	[bflag:$0x2] =	sbarrier.arrive $0xFFFF  }
0x83: {  	[sflag:s0] =	ssyncadd.tile.s32 @!p0 $0x1;
	_ =	shalt  }
.Lfunc_end2:
_tile_overlayer_lowered:
.L_overlay_start_2:
0x84: {  	(tag) =	ssettag $0x2  }
0x85: {  	s0 =	rddreg [dreg:$0x0];
	s2 =	stileid.u32  }
0x86: {  	s1 =	rddreg [dreg:$0x1];
	p0 =	sne.s32 s2, $0x0  }
0x87: {  	s3 =	rddreg [dreg:$0x2];
	[bflag:$0x3] =	sbarrier.arrive $0xFFFF;
	s2 =	simm.s32 @!p0 $0x1C05  }
0x88: {  	[timem:s3], [sflag:s2] =	dma.local @!p0 [hbm:s0], s1  }
0x89: {  	s0 =	simm.s32 @!p0 $0x5  }
0x8a: {  	_ =	swait.ge @!p0 [sflag:s0], s1  }
0x8b: {  	s1 =	ssub.s32 @!p0 $0x0, s1;
	[sflag:s0] =	ssyncset.done @!p0 $0x0  }
0x8c: {  	[sflag:s0] =	ssyncadd.s32 @!p0 s1  }
0x8d: {  	[bflag:$0x3] =	sbarrier.arrive $0xFFFF  }
0x8e: {  	_ =	shalt  }

// kernel: kernel.9.cloned.1.call-start
scs
__scs_entry_jumppad:
0x0: {  	(pc) =	sbr.rel $0x88, $3  }
0x1: {  	(tag) =	ssettag $0x0;
	lr =	simm.s32 $0x1  }
0x2: {  	[smem:$0x3F91] =	sst lr;
	_ =	strace $0xD0000000  }
0x3: {  	_ = 	snop  }
0x4: {  	_ = 	snop  }
0x5: {  	_ = 	snop  }
0x6: {  	_ = 	snop  }
0x7: {  	_ = 	snop  }
__scs_overlays_trampoline_lowered:
0x8: {  	[smem:$0x3FA0] =	sst s0  }
0x9: {  	[smem:$0x3FA1] =	sst s1  }
0xa: {  	[smem:$0x3FA2] =	sst s2  }
0xb: {  	[smem:$0x3FA3] =	sst s3  }
0xc: {  	[smem:$0x3FA4] =	sst s4  }
0xd: {  	[smem:$0x3FA5] =	sst s5  }
0xe: {  	[smem:$0x3FA6] =	sst s6  }
0xf: {  	[smem:$0x3FA7] =	sst s7  }
0x10: {  	[smem:$0x3FA8] =	sst s8  }
0x11: {  	[smem:$0x3FA9] =	sst s9;
	s0 =	simm.s32 @!p0 $0x0  }
0x12: {  	s1 =	sld [smem:$0x3F8F];
	s0 =	simm.s32 @p0 $0x1  }
0x13: {  	[smem:$0x3FAA] =	sst s0;
	s0 =	simm.s32 @!p1 $0x0  }
0x14: {  	s2 =	sld [smem:$0x3F8E];
	s0 =	simm.s32 @p1 $0x1  }
0x15: {  	[smem:$0x3FAB] =	sst s0;
	s0 =	simm.s32 @!p2 $0x0  }
0x16: {  	s3 =	sld [smem:$0x3FDB];
	s0 =	simm.s32 @p2 $0x1  }
0x17: {  	s4 =	simm.s32 $0x1BF5;
	[smem:$0x3FAD] =	sst s0  }
0x18: {  	s0 =	sld [smem:$0x3F90];
	_ =	swait.ge [sflag:s4], $0x0  }
0x19: {  	s7 =	sld [smem:$0x3F91]  }
0x1a: {  	s8 =	sadd.s32 $0xFFFFE003, lr  }
0x1b: {  	s9 =	sadd.s32 $0xFFFFFEF7, lr;
	s5 =	simm.s32 $0xFFFFFFFF;
	p2 =	slt.u32 s8, $0xFFFFF086  }
0x1c: {  	p1 =	slt.u32 s9, $0xF7A;
	s5 =	simm.s32 @!p2 $0x0  }
0x1d: {  	s5 =	simm.s32 @p1 $0x1;
	p0 =	seq.s32 s7, s2  }
0x1e: {  	s7 =	smul.u32 @!p0 $0xF7A, s2;
	p2 =	seq.s32 @!p0 s5, $0x0  }
0x1f: {  	s9 =	smul.u32 $0xF7A, s1;
	s8 =	simm.s32 @!p0 $0x1BF5;
	p2 =	por !p2, p0  }
0x20: {  	[sflag:s8] =	ssyncset.s32 @!p0 $0xFFFFF086;
	s6 =	sadd.s32 @!p0 s3, s7;
	s7 =	simm.s32 @!p0 $0x108  }
0x21: {  	s3 =	sadd.s32 s3, s9;
	s6 =	sadd.s32 @!p0 $0x88, s6;
	s7 =	simm.s32 @p2 $0x1082  }
0x22: {  	[simem:s7], [sflag:s8] =	dma.local @!p0 [hbm:s6], $0xF7A  }
0x23: {  	s9 =	sor.u32 $0xD0000000, s2;
	s6 =	simm.s32 $0x108;
	_ =	swait.ge @!p0 [sflag:s8], $0x0  }
0x24: {  	s3 =	sadd.s32 $0x88, s3;
	s6 =	simm.s32 @!p1 $0x1082;
	[sflag:s4] =	ssyncset.s32 $0xFFFFF086  }
0x25: {  	[simem:s6], [sflag:s4] =	dma.local [hbm:s3], $0xF7A  }
0x26: {  	[smem:$0x3F91] =	sst s1;
	(tag) =	ssettag s2;
	_ =	strace s9  }
0x27: {  	s1 =	sld [smem:$0x3FA1]  }
0x28: {  	s2 =	sld [smem:$0x3FA2]  }
0x29: {  	s4 =	sld [smem:$0x3FA4]  }
0x2a: {  	p0 =	seq.s32 s5, $0x0;
	s5 =	sld [smem:$0x3FA5]  }
0x2b: {  	s6 =	sld [smem:$0x3FA6]  }
0x2c: {  	s7 =	sld [smem:$0x3FA7]  }
0x2d: {  	s3 =	simm.s32 $0x108;
	s8 =	sld [smem:$0x3FA8]  }
0x2e: {  	s3 =	simm.s32 @!p0 $0x1082;
	s9 =	sld [smem:$0x3FA9]  }
0x2f: {  	lr =	sadd.s32 s0, s3;
	s0 =	sld [smem:$0x3FA0]  }
0x30: {  	s3 =	sld [smem:$0x3FA3]  }
0x31: {  	[smem:$0x3FAC] =	sst s10  }
0x32: {  	s10 =	sld [smem:$0x3FAA];
	_ =	sdelay $0x3  }
0x33: {  	p0 =	seq.s32 s10, $0x1;
	s10 =	sld [smem:$0x3FAC];
	_ =	sdelay $0x3  }
0x34: {  	[smem:$0x3FAC] =	sst s10  }
0x35: {  	s10 =	sld [smem:$0x3FAB];
	_ =	sdelay $0x3  }
0x36: {  	p1 =	seq.s32 s10, $0x1;
	s10 =	sld [smem:$0x3FAC];
	_ =	sdelay $0x3  }
0x37: {  	[smem:$0x3FAC] =	sst s10  }
0x38: {  	s10 =	sld [smem:$0x3FAD]  }
0x39: {  	_ = 	snop;
	(pc) =	sbr.ind lr, $3  }
0x3a: {  	_ = 	snop  }
0x3b: {  	_ = 	snop  }
0x3c: {  	p2 =	seq.s32 s10, $0x1;
	s10 =	sld [smem:$0x3FAC]  }
0x3d: {  	_ =	shalt  }
0x3e: {  	_ =	shalt  }
0x3f: {  	_ =	shalt  }
0x40: {  	_ =	shalt  }
0x41: {  	_ =	shalt  }
0x42: {  	_ =	shalt  }
0x43: {  	_ =	shalt  }
0x44: {  	_ =	shalt  }
0x45: {  	_ =	shalt  }
0x46: {  	_ =	shalt  }
0x47: {  	_ =	shalt  }
0x48: {  	_ =	shalt  }
0x49: {  	_ =	shalt  }
0x4a: {  	_ =	shalt  }
0x4b: {  	_ =	shalt  }
0x4c: {  	_ =	shalt  }
0x4d: {  	_ =	shalt  }
0x4e: {  	_ =	shalt  }
0x4f: {  	_ =	shalt  }
0x50: {  	_ =	shalt  }
0x51: {  	_ =	shalt  }
0x52: {  	_ =	shalt  }
0x53: {  	_ =	shalt  }
0x54: {  	_ =	shalt  }
0x55: {  	_ =	shalt  }
0x56: {  	_ =	shalt  }
0x57: {  	_ =	shalt  }
0x58: {  	_ =	shalt  }
0x59: {  	_ =	shalt  }
0x5a: {  	_ =	shalt  }
0x5b: {  	_ =	shalt  }
0x5c: {  	_ =	shalt  }
0x5d: {  	_ =	shalt  }
0x5e: {  	_ =	shalt  }
0x5f: {  	_ =	shalt  }
0x60: {  	_ =	shalt  }
0x61: {  	_ =	shalt  }
0x62: {  	_ =	shalt  }
0x63: {  	_ =	shalt  }
0x64: {  	_ =	shalt  }
0x65: {  	_ =	shalt  }
0x66: {  	_ =	shalt  }
0x67: {  	_ =	shalt  }
0x68: {  	_ =	shalt  }
0x69: {  	_ =	shalt  }
0x6a: {  	_ =	shalt  }
0x6b: {  	_ =	shalt  }
0x6c: {  	_ =	shalt  }
0x6d: {  	_ =	shalt  }
0x6e: {  	_ =	shalt  }
0x6f: {  	_ =	shalt  }
0x70: {  	_ =	shalt  }
0x71: {  	_ =	shalt  }
0x72: {  	_ =	shalt  }
0x73: {  	_ =	shalt  }
0x74: {  	_ =	shalt  }
0x75: {  	_ =	shalt  }
0x76: {  	_ =	shalt  }
0x77: {  	_ =	shalt  }
0x78: {  	_ =	shalt  }
0x79: {  	_ =	shalt  }
0x7a: {  	_ =	shalt  }
0x7b: {  	_ =	shalt  }
0x7c: {  	_ =	shalt  }
0x7d: {  	_ =	shalt  }
0x7e: {  	_ =	shalt  }
0x7f: {  	_ =	shalt  }
0x80: {  	_ =	shalt  }
0x81: {  	_ =	shalt  }
0x82: {  	_ =	shalt  }
0x83: {  	_ =	shalt  }
0x84: {  	_ =	shalt  }
0x85: {  	_ =	shalt  }
0x86: {  	_ =	shalt  }
0x87: {  	_ =	shalt  }
.Lfunc_end0:
.L_simem_size_0:
called_computation.1_lowered:
.L_overlay_start_0:
0x88: {  	s2 =	sld [smem:$0x3FD9]  }
0x89: {  	s3 =	sld [smem:$0x3FFE];
	_ =	sdelay $0x1  }
0x8a: {  	s1 =	srdreg.scid  }
0x8b: {  	s0 =	sand.u32 $0x1, s1  }
0x8c: {  	s17 =	sshll.u32 s0, $0xA;
	s2 =	sadd.s32 s3, s2  }
0x8d: {  	s2 =	sadd.s32 s2, s17  }
0x8e: {  	[smem:$0x3FB8] =	sst s2  }
0x8f: {  	_ = 	snop  }
0x90: {  	s2 =	sld [smem:$0x3FD0];
	(tm) =	ssettm $0x1  }
0x91: {  	s18 =	sld [smem:$0x3FFB];
	_ =	sdelay $0x3  }
0x92: {  	_ =	strace s18  }
0x93: {  	s3 =	sld [smem:$0x3FFC];
	_ =	sdelay $0x3  }
0x94: {  	_ =	strace s3  }
0x95: {  	s3 =	sld [smem:$0x3FFD];
	_ =	sdelay $0x3  }
0x96: {  	_ =	strace s3  }
0x97: {  	_ =	strace $0x8FFFFFFF  }
0x98: {  	s19 =	sld [smem:$0x3FDB];
	_ =	sdelay $0x1  }
0x99: {  	s4 =	simm.s32 $_scs_section_size  }
0x9a: {  	s5 =	simm.s32 $_size__tile_overlayer_lowered;
	s6 =	simm.s32 $_tile_overlayer_lowered  }
0x9b: {  	s22 =	simm.s32 $0x1BFF;
	s21 =	sshll.u32 s6, $0x1;
	s3 =	sadd.s32 s4, s19  }
0x9c: {  	s7 =	simm.s32 $0x0;
	s20 =	sshll.u32 s5, $0x1;
	s5 =	sadd.s32 s21, s3  }
0x9d: {  	[timem:s7], [sflag:s22] =	dma.local [hbm:s5], s20  }
0x9e: {  	_ =	swait.ge [sflag:s22], s20  }
0x9f: {  	s4 =	ssub.s32 $0x0, s20;
	[sflag:s22] =	ssyncset.done $0x0  }
0xa0: {  	[sflag:s22] =	ssyncadd.s32 s4;
	_ =	sdelay $0x1  }
0xa1: {  	s23 =	simm.s32 $0x1B8B  }
0xa2: {  	_ =	swait.ge [sflag:s23], $0x1  }
0xa3: {  	[sflag:s23] =	ssyncset.done $0x0  }
0xa4: {  	s25 =	simm.s32 $0x1B8E;
	s24 =	sld [smem:$0x3FFE];
	[sflag:s23] =	ssyncadd.s32 $0xFFFFFFFF  }
0xa5: {  	s26 =	simm.s32 $execute0_lowered;
	[smem:$0x3FD2] =	sst s25  }
0xa6: {  	s5 =	sshll.u32 s26, $0x1;
	_ =	strace $0x80000049;
	[dreg:$0x1] =	wrdreg $0xFFFFFFFF  }
0xa7: {  	s28 =	simm.s32 $_size_execute0_lowered;
	s3 =	sadd.s32 s3, s5;
	[dreg:$0x0] =	wrdreg $0x0  }
0xa8: {  	s5 =	sshll.u32 s28, $0x1;
	[dreg:$0x2] =	wrdreg s3  }
0xa9: {  	[dreg:$0x3] =	wrdreg s5  }
0xaa: {  	[dreg:$0x4] =	wrdreg $0xC0  }
0xab: {  	_ =	task [dreg:s7], $0x5FFFF  }
0xac: {  	[dreg:$0x1] =	wrdreg $0xFFFFFFFF  }
0xad: {  	[dreg:$0x0] =	wrdreg $0x60  }
0xae: {  	[dreg:$0x2] =	wrdreg s2  }
0xaf: {  	[dreg:$0x3] =	wrdreg s24  }
0xb0: {  	[dreg:$0x4] =	wrdreg $0x7A000  }
0xb1: {  	[dreg:$0x5] =	wrdreg $0x9  }
0xb2: {  	_ =	task.clear_ibuf [dreg:s7], $0x6FFFF;
	_ =	strace $0x90000049  }
0xb3: {  	s29 =	simm.s32 $0x9;
	_ =	strace $0x8000004B  }
0xb4: {  	_ =	swait.ge [sflag:s29], $0x1  }
0xb5: {  	[sflag:s29] =	ssyncadd.s32 $0xFFFFFFFF  }
0xb6: {  	_ =	strace $0x9000004B  }
0xb7: {  	_ =	sfence  }
0xb8: {  	s30 =	sld [smem:$0x0];
	_ =	sdelay $0x2  }
0xb9: {  	s31 =	sshll.u32 s1, $0xD;
	s1 =	sshrl.u32 s1, $0x2  }
0xba: {  	s3 =	sand.u32 $0x4000, s31;
	s1 =	sadd.s32 s1, s30  }
0xbb: {  	s0 =	sor.u32 s3, s0;
	s1 =	sshll.u32 s1, $0x11  }
0xbc: {  	s0 =	sor.u32 s1, s0  }
0xbd: {  	s0 =	sadd.s32 $0x8F2B, s0  }
0xbe: {  	[sflag:s0] =	ssyncadd.remote.s32 $0x1  }
0xbf: {  	_ =	sfence.sel $0xFFFF  }
0xc0: {  	[dreg:$0x0] =	wrdreg $0xFFFFFFFF;
	(pc) =	sbr.abs _section_cstart, $3  }
0xc1: {  	[dreg:$0x1] =	wrdreg $0xFFFFFFFF  }
0xc2: {  	_ =	task.clear_ibuf [dreg:s7], $0x2FFFF;
	_ =	strace $0x9FFFFFFF  }
0xc3: {  	(tm) =	ssettm $0x7FFFFFFF  }
tec
execute0_lowered:
.L_overlay_start_1:
0x0: {  	(tag) =	ssettag $0x1  }
0x1: {  	s1 =	rddreg [dreg:$0x0]  }
0x2: {  	s5 =	rddreg [dreg:$0x1]  }
0x3: {  	s2 =	rddreg [dreg:$0x2]  }
0x4: {  	s0 =	rddreg [dreg:$0x3];
	s4 =	simm.s32 $0x0;
	s3 =	srdreg.scid  }
0x5: {  	s15 =	simm.s32 $0x5;
	s16 =	simm.s32 $0x1;
	s17 =	simm.s32 $0x50  }
0x6: {  	s18 =	simm.s32 $0x200;
	s19 =	simm.s32 $0x2;
	s20 =	simm.s32 $0x2A00  }
0x7: {  	s21 =	simm.s32 $0x3;
	s22 =	simm.s32 $0x80;
	s23 =	simm.s32 $0x4  }
0x8: {  	s24 =	simm.s32 $0x180;
	[smem:$0x7FF] =	sst s4;
	s6 =	sand.u32 $0x1, s3  }
0x9: {  	s25 =	simm.s32 $0x0;
	s3 =	stileid.u32;
	s7 =	smul.u32 $0x138800, s6  }
0xa: {  	s11 =	sadd.s32 $0x3000, s5;
	_ =	strace $0x8000004A;
	s8 =	smul.u32 $0x2800, s3  }
0xb: {  	s9 =	sshll.u32 s6, $0x13;
	s10 =	sshll.u32 s3, $0xF;
	s6 =	ssub.s32 $0x2, s6  }
0xc: {  	s29 =	ssub.s32 $0x8C, s3;
	s30 =	smul.u32 $0xA000, s3;
	s9 =	sor.u32 s10, s9  }
0xd: {  	s28 =	sshrl.u32 s6, $0x1;
	s7 =	sadd.s32 s8, s7;
	s10 =	sshrl.u32 s9, $0x3  }
0xe: {  	s8 =	ssub.s32 s6, s28;
	s13 =	sor.u32 $0x300, s9;
	s14 =	sor.u32 $0x200, s9  }
0xf: {  	s7 =	sshrl.u32 s7, $0x3;
	s8 =	smax.u32 s8, $0x1;
	s13 =	sshrl.u32 s13, $0x3  }
0x10: {  	s31 =	sshrl.u32 s14, $0x3;
	s14 =	simm.s32 $0x5200;
	s12 =	sadd.s32 s7, s5  }
0x11: {  	s5 =	sadd.s32 s11, s10;
	s7 =	sshrl.u32 s29, $0x4;
	s10 =	sshrl.u32 s30, $0x2  }
0x12: {  	s6 =	sadd.s32 $0x20, s5;
	s9 =	sadd.s32 s10, s2;
	s10 =	sadd.s32 s13, s11  }
0x13: {  	v0 =	vimm.f32 $0.0e+00;
	s11 =	sadd.s32 s31, s11;
	s12 =	sadd.s32 $0x23000, s12;
	s13 =	simm.s32 $0x100  }
.LBB2_1:
0x14: {  	[tilespmem:s4], [sflag:$0x1] =	stream.linear.gather [hbm4b:s5+s4], $0x100, $0x38;
	[tilespmem:$0x1B280] =	vst v63  }
0x15: {  	s26 =	simm.s32 $0x70;
	s28 =	simm.s32 $0x3C0  }
0x16: {  	[tilespmem:s13], [sflag:$0x2] =	stream.linear.gather [hbm4b:s6+s4], $0x100, $0x38;
	[tilespmem:$0x1B280] =	vst v63  }
.LBB2_2:
0x17: {  	p0 =	sne.s32 s28, $0x9FC0;
	[tilespmem:s26+$0x5200] =	vst v0  }
0x18: {  	[tilespmem:s26+$0x5190] =	vst v0  }
0x19: {  	[tilespmem:s26+$0x51A0] =	vst v0  }
.Ltmp0:
0x1a: {  	[tilespmem:s26+$0x51B0] =	vst v0;
	(pc) =	sbr.rel @p0 .LBB2_2-.Ltmp0, $4  }
0x1b: {  	[tilespmem:s26+$0x51C0] =	vst v0  }
0x1c: {  	[tilespmem:s26+$0x51D0] =	vst v0  }
0x1d: {  	[tilespmem:s26+$0x51E0] =	vst v0  }
0x1e: {  	[tilespmem:s26+$0x51F0] =	vst v0;
	s26 =	sshra.s32 s28, $0x2;
	s28 =	sadd.s32 $0x200, s28  }
0x1f: {  	[tilespmem:s26+$0x5200] =	vst v0  }
0x20: {  	[tilespmem:s26+$0x5190] =	vst v0  }
0x21: {  	[tilespmem:s26+$0x51A0] =	vst v0  }
0x22: {  	[tilespmem:s26+$0x51B0] =	vst v0  }
0x23: {  	[tilespmem:s26+$0x51C0] =	vst v0  }
0x24: {  	[tilespmem:s26+$0x51D0] =	vst v0;
	p0 =	sne.s32 s7, $0x1  }
.Ltmp1:
0x25: {  	[tilespmem:s26+$0x51E0] =	vst v0;
	(pc) =	sbr.rel @!p0 .LBB2_5-.Ltmp1, $4  }
0x26: {  	[tilespmem:s26+$0x51F0] =	vst v0  }
0x27: {  	[spmem:s9] =	stream.linear.scatter [tilespmem:s14], [sflag:$0x5], $0x2800, $0x38;
	[tilespmem:$0x1B280] =	vst v63  }
0x28: {  	_ =	swait.ge [sflag:s15], $0x2800  }
0x29: {  	s26 =	sadd.s32 $0xFFFFFFFF, s7;
	s28 =	smov.u32 s9;
	[sflag:s15] =	ssyncset.done $0x0  }
.LBB2_4:
0x2a: {  	p1 =	sne.s32 s26, $0x1;
	[sflag:s15] =	ssyncadd.s32 $0xFFFFD800;
	s28 =	sadd.s32 $0x28000, s28  }
.Ltmp2:
0x2b: {  	s26 =	sadd.s32 $0xFFFFFFFF, s26;
	(pc) =	sbr.rel @p1 .LBB2_4-.Ltmp2, $4  }
0x2c: {  	_ = 	snop  }
0x2d: {  	[spmem:s28] =	stream.linear.scatter [tilespmem:s14], [sflag:$0x5], $0x2800, $0x38;
	[tilespmem:$0x1B280] =	vst v63  }
0x2e: {  	_ =	swait.ge [sflag:s15], $0x2800  }
0x2f: {  	[sflag:s15] =	ssyncset.done $0x0  }
.LBB2_5:
0x30: {  	[sflag:s15] =	ssyncadd.s32 $0xFFFFD800  }
0x31: {  	_ =	swait.ge [sflag:s16], $0x100  }
0x32: {  	[sflag:s16] =	ssyncset.done $0x0  }
0x33: {  	s26 =	simm.s32 $0x0;
	[sflag:s16] =	ssyncadd.s32 $0xFFFFFF00  }
0x34: {  	[tilespmem:s18], [sflag:$0x3] =	stream.indirect.gather [hbm4b:s1+s17], $0x80, s26, s17, $0xb8;
	[tilespmem:$0x1B280] =	vst v63  }
0x35: {  	[bflag:$0x0] =	sbarrier.arrive $0xFFFF  }
0x36: {  	_ =	swait.ge [sflag:s19], $0x100  }
0x37: {  	[sflag:s19] =	ssyncset.done $0x0  }
0x38: {  	[sflag:s19] =	ssyncadd.s32 $0xFFFFFF00  }
0x39: {  	[tilespmem:s20], [sflag:$0x4] =	stream.indirect.gather [hbm4b:s1+s17], $0x80, s13, s17, $0xb8;
	[tilespmem:$0x1B280] =	vst v63  }
0x3a: {  	_ =	swait.ge [sflag:s21], $0x2800  }
0x3b: {  	[sflag:s21] =	ssyncset.done $0x0  }
0x3c: {  	[sflag:s21] =	ssyncadd.s32 $0xFFFFD800  }
0x3d: {  	[spmem:s2] =	stream.indirect.scatter.add.f32 [tilespmem:s18], [sflag:$0x5], $0x80, s22, s17, $0xb8;
	[tilespmem:$0x1B280] =	vst v63  }
0x3e: {  	_ =	swait.ge [sflag:s15], $0x2800  }
0x3f: {  	[sflag:s15] =	ssyncset.done $0x0  }
0x40: {  	s30 =	sadd.s32 $0x0, s11;
	[sflag:s15] =	ssyncadd.s32 $0xFFFFD800  }
0x41: {  	[tilespmem:s4], [sflag:$0x1] =	stream.linear.gather [hbm4b:s30+s4], $0x100, $0x38;
	[tilespmem:$0x1B280] =	vst v63  }
0x42: {  	_ =	swait.ge [sflag:s23], $0x2800  }
0x43: {  	[sflag:s23] =	ssyncset.done $0x0  }
0x44: {  	[sflag:s23] =	ssyncadd.s32 $0xFFFFD800  }
0x45: {  	[spmem:s2] =	stream.indirect.scatter.add.f32 [tilespmem:s20], [sflag:$0x5], $0x80, s24, s17, $0xb8;
	[tilespmem:$0x1B280] =	vst v63  }
0x46: {  	_ =	swait.ge [sflag:s15], $0x2800  }
0x47: {  	[sflag:s15] =	ssyncset.done $0x0  }
0x48: {  	s31 =	sadd.s32 $0x0, s10;
	[sflag:s15] =	ssyncadd.s32 $0xFFFFD800  }
0x49: {  	[tilespmem:s13], [sflag:$0x2] =	stream.linear.gather [hbm4b:s31+s4], $0x100, $0x38;
	[tilespmem:$0x1B280] =	vst v63  }
0x4a: {  	_ =	swait.ge [sflag:s16], $0x100  }
0x4b: {  	[sflag:s16] =	ssyncset.done $0x0  }
0x4c: {  	s26 =	simm.s32 $0x40;
	[sflag:s16] =	ssyncadd.s32 $0xFFFFFF00  }
.LBB2_6:
0x4d: {  	[tilespmem:s18], [sflag:$0x3] =	stream.indirect.gather [hbm4b:s1+s17], $0x80, s4, s17, $0xb8;
	[tilespmem:$0x1B280] =	vst v63  }
0x4e: {  	s28 =	smov.u32 s26  }
0x4f: {  	p1 =	sne.s32 s26, $0xF40;
	s26 =	sadd.s32 $0x40, s26;
	_ =	swait.ge [sflag:s19], $0x100  }
0x50: {  	[sflag:s19] =	ssyncset.done $0x0  }
0x51: {  	[sflag:s19] =	ssyncadd.s32 $0xFFFFFF00  }
0x52: {  	[tilespmem:s20], [sflag:$0x4] =	stream.indirect.gather [hbm4b:s1+s17], $0x80, s13, s17, $0xb8;
	[tilespmem:$0x1B280] =	vst v63  }
0x53: {  	_ =	swait.ge [sflag:s21], $0x2800  }
0x54: {  	[sflag:s21] =	ssyncset.done $0x0  }
0x55: {  	[sflag:s21] =	ssyncadd.s32 $0xFFFFD800  }
0x56: {  	[spmem:s2] =	stream.indirect.scatter.add.f32 [tilespmem:s18], [sflag:$0x5], $0x80, s22, s17, $0xb8;
	[tilespmem:$0x1B280] =	vst v63  }
0x57: {  	_ =	swait.ge [sflag:s15], $0x2800  }
0x58: {  	[sflag:s15] =	ssyncset.done $0x0  }
0x59: {  	s29 =	sadd.s32 s28, s11;
	[sflag:s15] =	ssyncadd.s32 $0xFFFFD800  }
0x5a: {  	[tilespmem:s4], [sflag:$0x1] =	stream.linear.gather [hbm4b:s29+s4], $0x100, $0x38;
	[tilespmem:$0x1B280] =	vst v63  }
0x5b: {  	_ =	swait.ge [sflag:s23], $0x2800  }
0x5c: {  	[sflag:s23] =	ssyncset.done $0x0  }
0x5d: {  	[sflag:s23] =	ssyncadd.s32 $0xFFFFD800  }
0x5e: {  	[spmem:s2] =	stream.indirect.scatter.add.f32 [tilespmem:s20], [sflag:$0x5], $0x80, s24, s17, $0xb8;
	[tilespmem:$0x1B280] =	vst v63  }
0x5f: {  	_ =	swait.ge [sflag:s15], $0x2800  }
0x60: {  	[sflag:s15] =	ssyncset.done $0x0  }
.Ltmp3:
0x61: {  	s28 =	sadd.s32 s28, s10;
	[sflag:s15] =	ssyncadd.s32 $0xFFFFD800;
	(pc) =	sbr.rel @p1 .LBB2_6-.Ltmp3, $4  }
0x62: {  	[tilespmem:s13], [sflag:$0x2] =	stream.linear.gather [hbm4b:s28+s4], $0x100, $0x38;
	[tilespmem:$0x1B280] =	vst v63  }
0x63: {  	_ =	swait.ge [sflag:s16], $0x100  }
0x64: {  	[sflag:s16] =	ssyncset.done $0x0  }
0x65: {  	[sflag:s16] =	ssyncadd.s32 $0xFFFFFF00  }
0x66: {  	[tilespmem:s18], [sflag:$0x3] =	stream.indirect.gather [hbm4b:s1+s17], $0x80, s4, s17, $0xb8;
	[tilespmem:$0x1B280] =	vst v63  }
0x67: {  	_ =	swait.ge [sflag:s21], $0x2800  }
0x68: {  	[sflag:s21] =	ssyncset.done $0x0  }
0x69: {  	[sflag:s21] =	ssyncadd.s32 $0xFFFFD800  }
0x6a: {  	[spmem:s2] =	stream.indirect.scatter.add.f32 [tilespmem:s18], [sflag:$0x5], $0x80, s22, s17, $0xb8;
	[tilespmem:$0x1B280] =	vst v63  }
0x6b: {  	_ =	swait.ge [sflag:s15], $0x2800  }
0x6c: {  	[sflag:s15] =	ssyncset.done $0x0  }
0x6d: {  	[sflag:s15] =	ssyncadd.s32 $0xFFFFD800  }
0x6e: {  	_ =	swait.ge [sflag:s19], $0x100  }
.Ltmp4:
0x6f: {  	[sflag:s19] =	ssyncset.done $0x0;
	(pc) =	sbr.rel @!p0 .LBB2_9-.Ltmp4, $4  }
0x70: {  	s26 =	sshll.u32 s3, $0x6;
	s28 =	sshrl.u32 s9, $0x3;
	[sflag:s19] =	ssyncadd.s32 $0xFFFFFF00  }
0x71: {  	s29 =	sadd.s32 $0x5000, s12;
	s26 =	sor.u32 $0x1C05, s26;
	[bflag:$0x0] =	sbarrier.arrive $0xFFFF  }
0x72: {  	[hbm:s12], [sflag:s26] =	dma.local [spmem:s28], $0x500  }
0x73: {  	s30 =	smov.u32 s9;
	s28 =	sadd.s32 $0xFFFFFFFF, s7;
	_ =	swait.ge [sflag:s15], $0x500  }
.LBB2_8:
0x74: {  	[sflag:s15] =	ssyncset.done $0x0;
	s30 =	sadd.s32 $0x28000, s30;
	p0 =	sne.s32 s28, $0x1  }
.Ltmp5:
0x75: {  	s31 =	sshrl.u32 s30, $0x3;
	[sflag:s15] =	ssyncadd.s32 $0xFFFFFB00;
	(pc) =	sbr.rel @p0 .LBB2_8-.Ltmp5, $3  }
0x76: {  	[hbm:s29], [sflag:s26] =	dma.local [spmem:s31], $0x500  }
0x77: {  	s28 =	sadd.s32 $0xFFFFFFFF, s28;
	_ =	sdelay $0x1  }
0x78: {  	s29 =	sadd.s32 $0x5000, s29;
	_ =	swait.ge [sflag:s15], $0x500  }
.LBB2_9:
0x79: {  	s25 =	sadd.s32 $0x1, s25  }
0x7a: {  	p0 =	sne.s32 s25, s8  }
.Ltmp6:
0x7b: {  	_ = 	snop;
	(pc) =	sbr.rel @p0 .LBB2_1-.Ltmp6, $3  }
0x7c: {  	_ =	sdelay $0x1  }
0x7d: {  	[sflag:s15] =	ssyncset.done $0x0  }
0x7e: {  	[sflag:s15] =	ssyncadd.s32 $0xFFFFFB00  }
0x7f: {  	_ =	sfence.sel $0x180000  }
0x80: {  	[bflag:$0x0] =	sbarrier.arrive $0xFFFF  }
0x81: {  	p0 =	sne.s32 s3, $0x0;
	_ =	strace $0x9000004A  }
0x82: {  	s0 =	sadd.s32 @!p0 $0x100000, s0;
	[bflag:$0x2] =	sbarrier.arrive $0xFFFF  }
0x83: {  	[sflag:s0] =	ssyncadd.tile.s32 @!p0 $0x1;
	_ =	shalt  }
.Lfunc_end2:
_tile_overlayer_lowered:
.L_overlay_start_2:
0x84: {  	(tag) =	ssettag $0x2  }
0x85: {  	s0 =	rddreg [dreg:$0x0];
	s2 =	stileid.u32  }
0x86: {  	s1 =	rddreg [dreg:$0x1];
	p0 =	sne.s32 s2, $0x0  }
0x87: {  	s3 =	rddreg [dreg:$0x2];
	[bflag:$0x3] =	sbarrier.arrive $0xFFFF;
	s2 =	simm.s32 @!p0 $0x1C05  }
0x88: {  	[timem:s3], [sflag:s2] =	dma.local @!p0 [hbm:s0], s1  }
0x89: {  	s0 =	simm.s32 @!p0 $0x5  }
0x8a: {  	_ =	swait.ge @!p0 [sflag:s0], s1  }
0x8b: {  	s1 =	ssub.s32 @!p0 $0x0, s1;
	[sflag:s0] =	ssyncset.done @!p0 $0x0  }
0x8c: {  	[sflag:s0] =	ssyncadd.s32 @!p0 s1  }
0x8d: {  	[bflag:$0x3] =	sbarrier.arrive $0xFFFF  }
0x8e: {  	_ =	shalt  }

</sc_bundles>
